<compile_context>
chip_gen: v7x
topology: tpu7x:2x2x1
jax: 0.10.2.dev20260603
libtpu: 0.0.44.dev20260713+nightly
codegen_flags: <defaults>
</compile_context>

<pallas_src>
import functools

import jax
import jax.numpy as jnp
from jax import lax
from jax.experimental import pallas as pl
from jax.experimental.pallas import tpu as pltpu
from jax.experimental.pallas import tpu_sc as plsc

_info = plsc.get_sparse_core_info()
_NC, _NS = _info.num_cores, _info.num_subcores
_NW = _NC * _NS

_CHUNK = 128
_K = 10


def _make_gather(V, D, N):
    assert N % (_NW * _CHUNK) == 0
    n_rows = N // _CHUNK
    n_chunks = n_rows // _NW
    assert n_chunks % (2 * _K) == 0
    n_groups = n_chunks // _K
    mesh = plsc.VectorSubcoreMesh(core_axis_name="c", subcore_axis_name="s")

    scratch = [pltpu.VMEM((n_chunks, _CHUNK), jnp.int32)]
    scratch += [pltpu.VMEM((_K * _CHUNK, D), jnp.float32) for _ in range(2)]
    scratch += [pltpu.SemaphoreType.DMA for _ in range(4)]

    @functools.partial(
        pl.kernel,
        mesh=mesh,
        out_type=jax.ShapeDtypeStruct((n_rows // _K, _K * _CHUNK, D), jnp.float32),
        scratch_types=scratch,
        compiler_params=pltpu.CompilerParams(use_tc_tiling_on_sc=False),
    )
    def gather_kernel(table_hbm, idx_hbm, out_hbm, idx_v, *rest):
        rows = rest[:2]
        gsems = rest[2:4]
        wsems = rest[4:]
        wid = lax.axis_index("s") * _NC + lax.axis_index("c")
        base = wid * n_groups

        pltpu.sync_copy(idx_hbm.at[wid], idx_v)

        def start_gathers(g, h):
            for b in range(_K):
                j = g * _K + b
                pltpu.async_copy(
                    table_hbm.at[idx_v.at[j]],
                    rows[h].at[pl.ds(b * _CHUNK, _CHUNK)],
                    gsems[h],
                )

        def drain_gathers(h):
            for b in range(_K):
                pltpu.make_async_copy(
                    table_hbm.at[idx_v.at[0]],
                    rows[h].at[pl.ds(b * _CHUNK, _CHUNK)],
                    gsems[h],
                ).wait()

        def start_writebacks(g, h):
            pltpu.async_copy(rows[h], out_hbm.at[base + g], wsems[h])

        def drain_writebacks(h):
            pltpu.make_async_copy(rows[h], out_hbm.at[0], wsems[h]).wait()

        def half_step(g, h, o):
            drain_gathers(h)

            @pl.when(g + 1 < n_groups)
            def _():
                @pl.when(g >= 1)
                def _():
                    drain_writebacks(o)

                start_gathers(g + 1, o)

            start_writebacks(g, h)

        start_gathers(0, 0)

        def body(g, carry):
            half_step(g, 0, 1)
            half_step(g + 1, 1, 0)
            return carry

        lax.fori_loop(0, n_groups // 2, lambda i, c: body(i * 2, c), 0)
        drain_writebacks(1)

    return gather_kernel


def _seq_lens_body(x_ref, o_ref):
    o_ref[...] = jnp.sum((x_ref[...] != 0).astype(jnp.int32), axis=1)


def kernel(x, table):
    B_, L_ = x.shape
    V, D = table.shape
    N = B_ * L_
    x_i32 = x.astype(jnp.int32)
    idx3 = x_i32.reshape(_NW, N // (_NW * _CHUNK), _CHUNK)

    emb3 = _make_gather(V, D, N)(table, idx3)
    emb = emb3.reshape(B_, L_, D)

    seq_lens = pl.pallas_call(
        _seq_lens_body,
        out_shape=jax.ShapeDtypeStruct((B_,), jnp.int32),
    )(x_i32)

    return (emb, seq_lens)

# --- scband reference (transcript-rebuilt; emitter-appended) ---
"""Pipeline reference for scband-embedding-21199958573578 (READ-ONLY COPY).

The authoritative reference and input builder live on the scoring server;
editing this copy changes nothing except your own understanding.
"""

import jax, jax.numpy as jnp
import numpy as np

VOCAB = 1000000
DIM = 32
B = 4096
L = 200
PAD_IDX = 0


def setup_inputs(seed: int = 0) -> dict:
    key = jax.random.key(seed)
    k1, k2 = jax.random.split(key)
    x = jax.random.randint(k1, (B, L), 0, VOCAB)
    table = jax.random.normal(k2, (VOCAB, DIM), dtype=jnp.float32) * 0.02
    return {"x": x, "table": table}


def reference(x, table):
    # Faithful to Embedding.forward: the original converts word strings to
    # indices via word2idx; here indices are supplied directly. The core op is
    # a sparse embedding lookup followed by sequence-length computation based
    # on the PADDING index.
    emb = jnp.take(table, x, axis=0)  # [B, L, DIM] gather (SparseCore embedding)
    seq_lens = jnp.sum(x != PAD_IDX, axis=1)  # [B]
    return (emb, seq_lens)

if __name__ == "__main__":
    import jax
    _d = setup_inputs()
    print(jax.jit(kernel)(*tuple(_d.values())))

</pallas_src>

<mosaic_0001>
#map = affine_map<(d0, d1) -> (0, 0)>
#map1 = affine_map<(d0, d1) -> (0, 0, 0)>
module attributes {stable_mosaic.version = 14 : i64} {
  func.func @gather_kernel(%arg0: i32, %arg1: i32, %arg2: memref<1000000x32xf32, #tpu.memory_space<hbm>>, %arg3: memref<32x200x128xi32, #tpu.memory_space<hbm>>, %arg4: memref<640x1280x32xf32, #tpu.memory_space<hbm>>, %arg5: memref<200x128xi32, #tpu.memory_space<vmem>>, %arg6: memref<1280x32xf32, #tpu.memory_space<vmem>>, %arg7: memref<1280x32xf32, #tpu.memory_space<vmem>>, %arg8: memref<!tpu.dma_semaphore, #tpu.memory_space<semaphore_mem>>, %arg9: memref<!tpu.dma_semaphore, #tpu.memory_space<semaphore_mem>>, %arg10: memref<!tpu.dma_semaphore, #tpu.memory_space<semaphore_mem>>, %arg11: memref<!tpu.dma_semaphore, #tpu.memory_space<semaphore_mem>>) attributes {dimension_semantics = [#tpu.dimension_semantics<core_parallel>, #tpu.dimension_semantics<subcore_parallel>], iteration_bounds = array<i64: 2, 16>, scalar_prefetch = 0 : i64, scratch_operands = 7 : i64, tpu.core_type = #tpu.core_type<sc_vector_subcore>, window_params = [{transform_indices = #map}, {transform_indices = #map1}, {transform_indices = #map1}]} {
    %mul3A = arith.constant 2 : i32
    %mul3A_0 = arith.muli %arg1, %mul3A : i32
    %add3A = arith.addi %mul3A_0, %arg0 : i32
    %mul3A_1 = arith.constant 20 : i32
    %mul3A_2 = arith.muli %add3A, %mul3A_1 : i32
    "tpu.region"() ({
      %run_scoped3A = tpu.sem_alloc : memref<!tpu.dma_semaphore, #tpu.memory_space<semaphore_mem>>
      %dma_start3A_115 = arith.constant 0 : i32
      %dma_start3A_116 = arith.constant 0 : i32
      %dma_start3A_117 = tpu.memref_slice %arg3[%add3A, %dma_start3A_115, %dma_start3A_116] : memref<32x200x128xi32, #tpu.memory_space<hbm>> -> memref<1x200x128xi32, #tpu.memory_space<hbm>>
      %dma_start3A_118 = tpu.memref_squeeze %dma_start3A_117 : memref<1x200x128xi32, #tpu.memory_space<hbm>> -> memref<200x128xi32, #tpu.memory_space<hbm>>
      %dma_start3A_119 = arith.constant 0 : i32
      %dma_start3A_120 = arith.constant 0 : i32
      %dma_start3A_121 = tpu.memref_slice %arg3[%add3A, %dma_start3A_119, %dma_start3A_120] : memref<32x200x128xi32, #tpu.memory_space<hbm>> -> memref<1x200x128xi32, #tpu.memory_space<hbm>>
      %dma_start3A_122 = tpu.memref_squeeze %dma_start3A_121 : memref<1x200x128xi32, #tpu.memory_space<hbm>> -> memref<200x128xi32, #tpu.memory_space<hbm>>
      tpu.enqueue_dma source(%dma_start3A_122 : memref<200x128xi32, #tpu.memory_space<hbm>>) target(%arg5 : memref<200x128xi32, #tpu.memory_space<vmem>>) target_semaphore(%run_scoped3A : memref<!tpu.dma_semaphore, #tpu.memory_space<semaphore_mem>>)
      %dma_wait3A_123 = arith.constant 0 : i32
      %dma_wait3A_124 = arith.constant 0 : i32
      %dma_wait3A_125 = tpu.memref_slice %arg3[%add3A, %dma_wait3A_123, %dma_wait3A_124] : memref<32x200x128xi32, #tpu.memory_space<hbm>> -> memref<1x200x128xi32, #tpu.memory_space<hbm>>
      %dma_wait3A_126 = tpu.memref_squeeze %dma_wait3A_125 : memref<1x200x128xi32, #tpu.memory_space<hbm>> -> memref<200x128xi32, #tpu.memory_space<hbm>>
      %dma_wait3A_127 = arith.constant 0 : i32
      %dma_wait3A_128 = arith.constant 0 : i32
      %dma_wait3A_129 = tpu.memref_slice %arg3[%add3A, %dma_wait3A_127, %dma_wait3A_128] : memref<32x200x128xi32, #tpu.memory_space<hbm>> -> memref<1x200x128xi32, #tpu.memory_space<hbm>>
      %dma_wait3A_130 = tpu.memref_squeeze %dma_wait3A_129 : memref<1x200x128xi32, #tpu.memory_space<hbm>> -> memref<200x128xi32, #tpu.memory_space<hbm>>
      tpu.wait_dma2 semaphore(%run_scoped3A : memref<!tpu.dma_semaphore, #tpu.memory_space<semaphore_mem>>) src(%dma_wait3A_130 : memref<200x128xi32, #tpu.memory_space<hbm>>) dst(%arg5 : memref<200x128xi32, #tpu.memory_space<vmem>>)
      tpu.yield
    }) : () -> ()
    %dma_start3A = arith.constant 0 : i32
    %dma_start3A_3 = arith.constant 0 : i32
    %dma_start3A_4 = arith.constant 0 : i32
    %dma_start3A_5 = tpu.memref_slice %arg6[%dma_start3A_3, %dma_start3A_4] : memref<1280x32xf32, #tpu.memory_space<vmem>> -> memref<128x32xf32, #tpu.memory_space<vmem>>
    %dma_start3A_6 = arith.constant 0 : i32
    %dma_start3A_7 = tpu.memref_slice %arg5[%dma_start3A, %dma_start3A_6] : memref<200x128xi32, #tpu.memory_space<vmem>> -> memref<1x128xi32, #tpu.memory_space<vmem>>
    %dma_start3A_8 = tpu.memref_squeeze %dma_start3A_7 : memref<1x128xi32, #tpu.memory_space<vmem>> -> memref<128xi32, #tpu.memory_space<vmem>>
    %dma_start3A_9 = arith.constant 0 : i32
    %dma_start3A_10 = arith.constant 0 : i32
    %dma_start3A_11 = tpu.memref_slice %arg2[%dma_start3A_9, %dma_start3A_10] : memref<1000000x32xf32, #tpu.memory_space<hbm>> -> memref<1000000x32xf32, #tpu.memory_space<hbm>>
    tpu.enqueue_indirect_dma source(%dma_start3A_11 : memref<1000000x32xf32, #tpu.memory_space<hbm>>) target(%dma_start3A_5 : memref<128x32xf32, #tpu.memory_space<vmem>>) offsets(%dma_start3A_8 : memref<128xi32, #tpu.memory_space<vmem>>) semaphore(%arg8 : memref<!tpu.dma_semaphore, #tpu.memory_space<semaphore_mem>>)
    %dma_start3A_12 = arith.constant 1 : i32
    %dma_start3A_13 = arith.constant 128 : i32
    %dma_start3A_14 = arith.constant 0 : i32
    %dma_start3A_15 = tpu.memref_slice %arg6[%dma_start3A_13, %dma_start3A_14] : memref<1280x32xf32, #tpu.memory_space<vmem>> -> memref<128x32xf32, #tpu.memory_space<vmem>>
    %dma_start3A_16 = arith.constant 0 : i32
    %dma_start3A_17 = tpu.memref_slice %arg5[%dma_start3A_12, %dma_start3A_16] : memref<200x128xi32, #tpu.memory_space<vmem>> -> memref<1x128xi32, #tpu.memory_space<vmem>>
    %dma_start3A_18 = tpu.memref_squeeze %dma_start3A_17 : memref<1x128xi32, #tpu.memory_space<vmem>> -> memref<128xi32, #tpu.memory_space<vmem>>
    %dma_start3A_19 = arith.constant 0 : i32
    %dma_start3A_20 = arith.constant 0 : i32
    %dma_start3A_21 = tpu.memref_slice %arg2[%dma_start3A_19, %dma_start3A_20] : memref<1000000x32xf32, #tpu.memory_space<hbm>> -> memref<1000000x32xf32, #tpu.memory_space<hbm>>
    tpu.enqueue_indirect_dma source(%dma_start3A_21 : memref<1000000x32xf32, #tpu.memory_space<hbm>>) target(%dma_start3A_15 : memref<128x32xf32, #tpu.memory_space<vmem>>) offsets(%dma_start3A_18 : memref<128xi32, #tpu.memory_space<vmem>>) semaphore(%arg8 : memref<!tpu.dma_semaphore, #tpu.memory_space<semaphore_mem>>)
    %dma_start3A_22 = arith.constant 2 : i32
    %dma_start3A_23 = arith.constant 256 : i32
    %dma_start3A_24 = arith.constant 0 : i32
    %dma_start3A_25 = tpu.memref_slice %arg6[%dma_start3A_23, %dma_start3A_24] : memref<1280x32xf32, #tpu.memory_space<vmem>> -> memref<128x32xf32, #tpu.memory_space<vmem>>
    %dma_start3A_26 = arith.constant 0 : i32
    %dma_start3A_27 = tpu.memref_slice %arg5[%dma_start3A_22, %dma_start3A_26] : memref<200x128xi32, #tpu.memory_space<vmem>> -> memref<1x128xi32, #tpu.memory_space<vmem>>
    %dma_start3A_28 = tpu.memref_squeeze %dma_start3A_27 : memref<1x128xi32, #tpu.memory_space<vmem>> -> memref<128xi32, #tpu.memory_space<vmem>>
    %dma_start3A_29 = arith.constant 0 : i32
    %dma_start3A_30 = arith.constant 0 : i32
    %dma_start3A_31 = tpu.memref_slice %arg2[%dma_start3A_29, %dma_start3A_30] : memref<1000000x32xf32, #tpu.memory_space<hbm>> -> memref<1000000x32xf32, #tpu.memory_space<hbm>>
    tpu.enqueue_indirect_dma source(%dma_start3A_31 : memref<1000000x32xf32, #tpu.memory_space<hbm>>) target(%dma_start3A_25 : memref<128x32xf32, #tpu.memory_space<vmem>>) offsets(%dma_start3A_28 : memref<128xi32, #tpu.memory_space<vmem>>) semaphore(%arg8 : memref<!tpu.dma_semaphore, #tpu.memory_space<semaphore_mem>>)
    %dma_start3A_32 = arith.constant 3 : i32
    %dma_start3A_33 = arith.constant 384 : i32
    %dma_start3A_34 = arith.constant 0 : i32
    %dma_start3A_35 = tpu.memref_slice %arg6[%dma_start3A_33, %dma_start3A_34] : memref<1280x32xf32, #tpu.memory_space<vmem>> -> memref<128x32xf32, #tpu.memory_space<vmem>>
    %dma_start3A_36 = arith.constant 0 : i32
    %dma_start3A_37 = tpu.memref_slice %arg5[%dma_start3A_32, %dma_start3A_36] : memref<200x128xi32, #tpu.memory_space<vmem>> -> memref<1x128xi32, #tpu.memory_space<vmem>>
    %dma_start3A_38 = tpu.memref_squeeze %dma_start3A_37 : memref<1x128xi32, #tpu.memory_space<vmem>> -> memref<128xi32, #tpu.memory_space<vmem>>
    %dma_start3A_39 = arith.constant 0 : i32
    %dma_start3A_40 = arith.constant 0 : i32
    %dma_start3A_41 = tpu.memref_slice %arg2[%dma_start3A_39, %dma_start3A_40] : memref<1000000x32xf32, #tpu.memory_space<hbm>> -> memref<1000000x32xf32, #tpu.memory_space<hbm>>
    tpu.enqueue_indirect_dma source(%dma_start3A_41 : memref<1000000x32xf32, #tpu.memory_space<hbm>>) target(%dma_start3A_35 : memref<128x32xf32, #tpu.memory_space<vmem>>) offsets(%dma_start3A_38 : memref<128xi32, #tpu.memory_space<vmem>>) semaphore(%arg8 : memref<!tpu.dma_semaphore, #tpu.memory_space<semaphore_mem>>)
    %dma_start3A_42 = arith.constant 4 : i32
    %dma_start3A_43 = arith.constant 512 : i32
    %dma_start3A_44 = arith.constant 0 : i32
    %dma_start3A_45 = tpu.memref_slice %arg6[%dma_start3A_43, %dma_start3A_44] : memref<1280x32xf32, #tpu.memory_space<vmem>> -> memref<128x32xf32, #tpu.memory_space<vmem>>
    %dma_start3A_46 = arith.constant 0 : i32
    %dma_start3A_47 = tpu.memref_slice %arg5[%dma_start3A_42, %dma_start3A_46] : memref<200x128xi32, #tpu.memory_space<vmem>> -> memref<1x128xi32, #tpu.memory_space<vmem>>
    %dma_start3A_48 = tpu.memref_squeeze %dma_start3A_47 : memref<1x128xi32, #tpu.memory_space<vmem>> -> memref<128xi32, #tpu.memory_space<vmem>>
    %dma_start3A_49 = arith.constant 0 : i32
    %dma_start3A_50 = arith.constant 0 : i32
    %dma_start3A_51 = tpu.memref_slice %arg2[%dma_start3A_49, %dma_start3A_50] : memref<1000000x32xf32, #tpu.memory_space<hbm>> -> memref<1000000x32xf32, #tpu.memory_space<hbm>>
    tpu.enqueue_indirect_dma source(%dma_start3A_51 : memref<1000000x32xf32, #tpu.memory_space<hbm>>) target(%dma_start3A_45 : memref<128x32xf32, #tpu.memory_space<vmem>>) offsets(%dma_start3A_48 : memref<128xi32, #tpu.memory_space<vmem>>) semaphore(%arg8 : memref<!tpu.dma_semaphore, #tpu.memory_space<semaphore_mem>>)
    %dma_start3A_52 = arith.constant 5 : i32
    %dma_start3A_53 = arith.constant 640 : i32
    %dma_start3A_54 = arith.constant 0 : i32
    %dma_start3A_55 = tpu.memref_slice %arg6[%dma_start3A_53, %dma_start3A_54] : memref<1280x32xf32, #tpu.memory_space<vmem>> -> memref<128x32xf32, #tpu.memory_space<vmem>>
    %dma_start3A_56 = arith.constant 0 : i32
    %dma_start3A_57 = tpu.memref_slice %arg5[%dma_start3A_52, %dma_start3A_56] : memref<200x128xi32, #tpu.memory_space<vmem>> -> memref<1x128xi32, #tpu.memory_space<vmem>>
    %dma_start3A_58 = tpu.memref_squeeze %dma_start3A_57 : memref<1x128xi32, #tpu.memory_space<vmem>> -> memref<128xi32, #tpu.memory_space<vmem>>
    %dma_start3A_59 = arith.constant 0 : i32
    %dma_start3A_60 = arith.constant 0 : i32
    %dma_start3A_61 = tpu.memref_slice %arg2[%dma_start3A_59, %dma_start3A_60] : memref<1000000x32xf32, #tpu.memory_space<hbm>> -> memref<1000000x32xf32, #tpu.memory_space<hbm>>
    tpu.enqueue_indirect_dma source(%dma_start3A_61 : memref<1000000x32xf32, #tpu.memory_space<hbm>>) target(%dma_start3A_55 : memref<128x32xf32, #tpu.memory_space<vmem>>) offsets(%dma_start3A_58 : memref<128xi32, #tpu.memory_space<vmem>>) semaphore(%arg8 : memref<!tpu.dma_semaphore, #tpu.memory_space<semaphore_mem>>)
    %dma_start3A_62 = arith.constant 6 : i32
    %dma_start3A_63 = arith.constant 768 : i32
    %dma_start3A_64 = arith.constant 0 : i32
    %dma_start3A_65 = tpu.memref_slice %arg6[%dma_start3A_63, %dma_start3A_64] : memref<1280x32xf32, #tpu.memory_space<vmem>> -> memref<128x32xf32, #tpu.memory_space<vmem>>
    %dma_start3A_66 = arith.constant 0 : i32
    %dma_start3A_67 = tpu.memref_slice %arg5[%dma_start3A_62, %dma_start3A_66] : memref<200x128xi32, #tpu.memory_space<vmem>> -> memref<1x128xi32, #tpu.memory_space<vmem>>
    %dma_start3A_68 = tpu.memref_squeeze %dma_start3A_67 : memref<1x128xi32, #tpu.memory_space<vmem>> -> memref<128xi32, #tpu.memory_space<vmem>>
    %dma_start3A_69 = arith.constant 0 : i32
    %dma_start3A_70 = arith.constant 0 : i32
    %dma_start3A_71 = tpu.memref_slice %arg2[%dma_start3A_69, %dma_start3A_70] : memref<1000000x32xf32, #tpu.memory_space<hbm>> -> memref<1000000x32xf32, #tpu.memory_space<hbm>>
    tpu.enqueue_indirect_dma source(%dma_start3A_71 : memref<1000000x32xf32, #tpu.memory_space<hbm>>) target(%dma_start3A_65 : memref<128x32xf32, #tpu.memory_space<vmem>>) offsets(%dma_start3A_68 : memref<128xi32, #tpu.memory_space<vmem>>) semaphore(%arg8 : memref<!tpu.dma_semaphore, #tpu.memory_space<semaphore_mem>>)
    %dma_start3A_72 = arith.constant 7 : i32
    %dma_start3A_73 = arith.constant 896 : i32
    %dma_start3A_74 = arith.constant 0 : i32
    %dma_start3A_75 = tpu.memref_slice %arg6[%dma_start3A_73, %dma_start3A_74] : memref<1280x32xf32, #tpu.memory_space<vmem>> -> memref<128x32xf32, #tpu.memory_space<vmem>>
    %dma_start3A_76 = arith.constant 0 : i32
    %dma_start3A_77 = tpu.memref_slice %arg5[%dma_start3A_72, %dma_start3A_76] : memref<200x128xi32, #tpu.memory_space<vmem>> -> memref<1x128xi32, #tpu.memory_space<vmem>>
    %dma_start3A_78 = tpu.memref_squeeze %dma_start3A_77 : memref<1x128xi32, #tpu.memory_space<vmem>> -> memref<128xi32, #tpu.memory_space<vmem>>
    %dma_start3A_79 = arith.constant 0 : i32
    %dma_start3A_80 = arith.constant 0 : i32
    %dma_start3A_81 = tpu.memref_slice %arg2[%dma_start3A_79, %dma_start3A_80] : memref<1000000x32xf32, #tpu.memory_space<hbm>> -> memref<1000000x32xf32, #tpu.memory_space<hbm>>
    tpu.enqueue_indirect_dma source(%dma_start3A_81 : memref<1000000x32xf32, #tpu.memory_space<hbm>>) target(%dma_start3A_75 : memref<128x32xf32, #tpu.memory_space<vmem>>) offsets(%dma_start3A_78 : memref<128xi32, #tpu.memory_space<vmem>>) semaphore(%arg8 : memref<!tpu.dma_semaphore, #tpu.memory_space<semaphore_mem>>)
    %dma_start3A_82 = arith.constant 8 : i32
    %dma_start3A_83 = arith.constant 1024 : i32
    %dma_start3A_84 = arith.constant 0 : i32
    %dma_start3A_85 = tpu.memref_slice %arg6[%dma_start3A_83, %dma_start3A_84] : memref<1280x32xf32, #tpu.memory_space<vmem>> -> memref<128x32xf32, #tpu.memory_space<vmem>>
    %dma_start3A_86 = arith.constant 0 : i32
    %dma_start3A_87 = tpu.memref_slice %arg5[%dma_start3A_82, %dma_start3A_86] : memref<200x128xi32, #tpu.memory_space<vmem>> -> memref<1x128xi32, #tpu.memory_space<vmem>>
    %dma_start3A_88 = tpu.memref_squeeze %dma_start3A_87 : memref<1x128xi32, #tpu.memory_space<vmem>> -> memref<128xi32, #tpu.memory_space<vmem>>
    %dma_start3A_89 = arith.constant 0 : i32
    %dma_start3A_90 = arith.constant 0 : i32
    %dma_start3A_91 = tpu.memref_slice %arg2[%dma_start3A_89, %dma_start3A_90] : memref<1000000x32xf32, #tpu.memory_space<hbm>> -> memref<1000000x32xf32, #tpu.memory_space<hbm>>
    tpu.enqueue_indirect_dma source(%dma_start3A_91 : memref<1000000x32xf32, #tpu.memory_space<hbm>>) target(%dma_start3A_85 : memref<128x32xf32, #tpu.memory_space<vmem>>) offsets(%dma_start3A_88 : memref<128xi32, #tpu.memory_space<vmem>>) semaphore(%arg8 : memref<!tpu.dma_semaphore, #tpu.memory_space<semaphore_mem>>)
    %dma_start3A_92 = arith.constant 9 : i32
    %dma_start3A_93 = arith.constant 1152 : i32
    %dma_start3A_94 = arith.constant 0 : i32
    %dma_start3A_95 = tpu.memref_slice %arg6[%dma_start3A_93, %dma_start3A_94] : memref<1280x32xf32, #tpu.memory_space<vmem>> -> memref<128x32xf32, #tpu.memory_space<vmem>>
    %dma_start3A_96 = arith.constant 0 : i32
    %dma_start3A_97 = tpu.memref_slice %arg5[%dma_start3A_92, %dma_start3A_96] : memref<200x128xi32, #tpu.memory_space<vmem>> -> memref<1x128xi32, #tpu.memory_space<vmem>>
    %dma_start3A_98 = tpu.memref_squeeze %dma_start3A_97 : memref<1x128xi32, #tpu.memory_space<vmem>> -> memref<128xi32, #tpu.memory_space<vmem>>
    %dma_start3A_99 = arith.constant 0 : i32
    %dma_start3A_100 = arith.constant 0 : i32
    %dma_start3A_101 = tpu.memref_slice %arg2[%dma_start3A_99, %dma_start3A_100] : memref<1000000x32xf32, #tpu.memory_space<hbm>> -> memref<1000000x32xf32, #tpu.memory_space<hbm>>
    tpu.enqueue_indirect_dma source(%dma_start3A_101 : memref<1000000x32xf32, #tpu.memory_space<hbm>>) target(%dma_start3A_95 : memref<128x32xf32, #tpu.memory_space<vmem>>) offsets(%dma_start3A_98 : memref<128xi32, #tpu.memory_space<vmem>>) semaphore(%arg8 : memref<!tpu.dma_semaphore, #tpu.memory_space<semaphore_mem>>)
    %scan3A = arith.constant 0 : i32
    %scan3A_102 = arith.constant 0 : i32
    %scan3A_103 = arith.constant 10 : i32
    %scan3A_104 = arith.addi %scan3A_102, %scan3A_103 : i32
    %scan3A_105 = arith.constant 1 : i32
    scf.for %scan3A_115 = %scan3A_102 to %scan3A_104 step %scan3A_105  : i32 {
      %mul3A_116 = arith.constant 2 : i32
      %mul3A_117 = arith.muli %scan3A_115, %mul3A_116 : i32
      %dma_wait3A_118 = arith.constant 0 : i32
      %dma_wait3A_119 = arith.constant 0 : i32
      %dma_wait3A_120 = arith.constant 0 : i32
      %dma_wait3A_121 = tpu.memref_slice %arg6[%dma_wait3A_119, %dma_wait3A_120] : memref<1280x32xf32, #tpu.memory_space<vmem>> -> memref<128x32xf32, #tpu.memory_space<vmem>>
      %dma_wait3A_122 = arith.constant 0 : i32
      %dma_wait3A_123 = tpu.memref_slice %arg5[%dma_wait3A_118, %dma_wait3A_122] : memref<200x128xi32, #tpu.memory_space<vmem>> -> memref<1x128xi32, #tpu.memory_space<vmem>>
      %dma_wait3A_124 = tpu.memref_squeeze %dma_wait3A_123 : memref<1x128xi32, #tpu.memory_space<vmem>> -> memref<128xi32, #tpu.memory_space<vmem>>
      %dma_wait3A_125 = arith.constant 0 : i32
      %dma_wait3A_126 = arith.constant 0 : i32
      %dma_wait3A_127 = tpu.memref_slice %arg2[%dma_wait3A_125, %dma_wait3A_126] : memref<1000000x32xf32, #tpu.memory_space<hbm>> -> memref<1000000x32xf32, #tpu.memory_space<hbm>>
      tpu.wait_indirect_dma semaphore(%arg8 : memref<!tpu.dma_semaphore, #tpu.memory_space<semaphore_mem>>) src(%dma_wait3A_127 : memref<1000000x32xf32, #tpu.memory_space<hbm>>) dst(%dma_wait3A_121 : memref<128x32xf32, #tpu.memory_space<vmem>>)
      %dma_wait3A_128 = arith.constant 0 : i32
      %dma_wait3A_129 = arith.constant 128 : i32
      %dma_wait3A_130 = arith.constant 0 : i32
      %dma_wait3A_131 = tpu.memref_slice %arg6[%dma_wait3A_129, %dma_wait3A_130] : memref<1280x32xf32, #tpu.memory_space<vmem>> -> memref<128x32xf32, #tpu.memory_space<vmem>>
      %dma_wait3A_132 = arith.constant 0 : i32
      %dma_wait3A_133 = tpu.memref_slice %arg5[%dma_wait3A_128, %dma_wait3A_132] : memref<200x128xi32, #tpu.memory_space<vmem>> -> memref<1x128xi32, #tpu.memory_space<vmem>>
      %dma_wait3A_134 = tpu.memref_squeeze %dma_wait3A_133 : memref<1x128xi32, #tpu.memory_space<vmem>> -> memref<128xi32, #tpu.memory_space<vmem>>
      %dma_wait3A_135 = arith.constant 0 : i32
      %dma_wait3A_136 = arith.constant 0 : i32
      %dma_wait3A_137 = tpu.memref_slice %arg2[%dma_wait3A_135, %dma_wait3A_136] : memref<1000000x32xf32, #tpu.memory_space<hbm>> -> memref<1000000x32xf32, #tpu.memory_space<hbm>>
      tpu.wait_indirect_dma semaphore(%arg8 : memref<!tpu.dma_semaphore, #tpu.memory_space<semaphore_mem>>) src(%dma_wait3A_137 : memref<1000000x32xf32, #tpu.memory_space<hbm>>) dst(%dma_wait3A_131 : memref<128x32xf32, #tpu.memory_space<vmem>>)
      %dma_wait3A_138 = arith.constant 0 : i32
      %dma_wait3A_139 = arith.constant 256 : i32
      %dma_wait3A_140 = arith.constant 0 : i32
      %dma_wait3A_141 = tpu.memref_slice %arg6[%dma_wait3A_139, %dma_wait3A_140] : memref<1280x32xf32, #tpu.memory_space<vmem>> -> memref<128x32xf32, #tpu.memory_space<vmem>>
      %dma_wait3A_142 = arith.constant 0 : i32
      %dma_wait3A_143 = tpu.memref_slice %arg5[%dma_wait3A_138, %dma_wait3A_142] : memref<200x128xi32, #tpu.memory_space<vmem>> -> memref<1x128xi32, #tpu.memory_space<vmem>>
      %dma_wait3A_144 = tpu.memref_squeeze %dma_wait3A_143 : memref<1x128xi32, #tpu.memory_space<vmem>> -> memref<128xi32, #tpu.memory_space<vmem>>
      %dma_wait3A_145 = arith.constant 0 : i32
      %dma_wait3A_146 = arith.constant 0 : i32
      %dma_wait3A_147 = tpu.memref_slice %arg2[%dma_wait3A_145, %dma_wait3A_146] : memref<1000000x32xf32, #tpu.memory_space<hbm>> -> memref<1000000x32xf32, #tpu.memory_space<hbm>>
      tpu.wait_indirect_dma semaphore(%arg8 : memref<!tpu.dma_semaphore, #tpu.memory_space<semaphore_mem>>) src(%dma_wait3A_147 : memref<1000000x32xf32, #tpu.memory_space<hbm>>) dst(%dma_wait3A_141 : memref<128x32xf32, #tpu.memory_space<vmem>>)
      %dma_wait3A_148 = arith.constant 0 : i32
      %dma_wait3A_149 = arith.constant 384 : i32
      %dma_wait3A_150 = arith.constant 0 : i32
      %dma_wait3A_151 = tpu.memref_slice %arg6[%dma_wait3A_149, %dma_wait3A_150] : memref<1280x32xf32, #tpu.memory_space<vmem>> -> memref<128x32xf32, #tpu.memory_space<vmem>>
      %dma_wait3A_152 = arith.constant 0 : i32
      %dma_wait3A_153 = tpu.memref_slice %arg5[%dma_wait3A_148, %dma_wait3A_152] : memref<200x128xi32, #tpu.memory_space<vmem>> -> memref<1x128xi32, #tpu.memory_space<vmem>>
      %dma_wait3A_154 = tpu.memref_squeeze %dma_wait3A_153 : memref<1x128xi32, #tpu.memory_space<vmem>> -> memref<128xi32, #tpu.memory_space<vmem>>
      %dma_wait3A_155 = arith.constant 0 : i32
      %dma_wait3A_156 = arith.constant 0 : i32
      %dma_wait3A_157 = tpu.memref_slice %arg2[%dma_wait3A_155, %dma_wait3A_156] : memref<1000000x32xf32, #tpu.memory_space<hbm>> -> memref<1000000x32xf32, #tpu.memory_space<hbm>>
      tpu.wait_indirect_dma semaphore(%arg8 : memref<!tpu.dma_semaphore, #tpu.memory_space<semaphore_mem>>) src(%dma_wait3A_157 : memref<1000000x32xf32, #tpu.memory_space<hbm>>) dst(%dma_wait3A_151 : memref<128x32xf32, #tpu.memory_space<vmem>>)
      %dma_wait3A_158 = arith.constant 0 : i32
      %dma_wait3A_159 = arith.constant 512 : i32
      %dma_wait3A_160 = arith.constant 0 : i32
      %dma_wait3A_161 = tpu.memref_slice %arg6[%dma_wait3A_159, %dma_wait3A_160] : memref<1280x32xf32, #tpu.memory_space<vmem>> -> memref<128x32xf32, #tpu.memory_space<vmem>>
      %dma_wait3A_162 = arith.constant 0 : i32
      %dma_wait3A_163 = tpu.memref_slice %arg5[%dma_wait3A_158, %dma_wait3A_162] : memref<200x128xi32, #tpu.memory_space<vmem>> -> memref<1x128xi32, #tpu.memory_space<vmem>>
      %dma_wait3A_164 = tpu.memref_squeeze %dma_wait3A_163 : memref<1x128xi32, #tpu.memory_space<vmem>> -> memref<128xi32, #tpu.memory_space<vmem>>
      %dma_wait3A_165 = arith.constant 0 : i32
      %dma_wait3A_166 = arith.constant 0 : i32
      %dma_wait3A_167 = tpu.memref_slice %arg2[%dma_wait3A_165, %dma_wait3A_166] : memref<1000000x32xf32, #tpu.memory_space<hbm>> -> memref<1000000x32xf32, #tpu.memory_space<hbm>>
      tpu.wait_indirect_dma semaphore(%arg8 : memref<!tpu.dma_semaphore, #tpu.memory_space<semaphore_mem>>) src(%dma_wait3A_167 : memref<1000000x32xf32, #tpu.memory_space<hbm>>) dst(%dma_wait3A_161 : memref<128x32xf32, #tpu.memory_space<vmem>>)
      %dma_wait3A_168 = arith.constant 0 : i32
      %dma_wait3A_169 = arith.constant 640 : i32
      %dma_wait3A_170 = arith.constant 0 : i32
      %dma_wait3A_171 = tpu.memref_slice %arg6[%dma_wait3A_169, %dma_wait3A_170] : memref<1280x32xf32, #tpu.memory_space<vmem>> -> memref<128x32xf32, #tpu.memory_space<vmem>>
      %dma_wait3A_172 = arith.constant 0 : i32
      %dma_wait3A_173 = tpu.memref_slice %arg5[%dma_wait3A_168, %dma_wait3A_172] : memref<200x128xi32, #tpu.memory_space<vmem>> -> memref<1x128xi32, #tpu.memory_space<vmem>>
      %dma_wait3A_174 = tpu.memref_squeeze %dma_wait3A_173 : memref<1x128xi32, #tpu.memory_space<vmem>> -> memref<128xi32, #tpu.memory_space<vmem>>
      %dma_wait3A_175 = arith.constant 0 : i32
      %dma_wait3A_176 = arith.constant 0 : i32
      %dma_wait3A_177 = tpu.memref_slice %arg2[%dma_wait3A_175, %dma_wait3A_176] : memref<1000000x32xf32, #tpu.memory_space<hbm>> -> memref<1000000x32xf32, #tpu.memory_space<hbm>>
      tpu.wait_indirect_dma semaphore(%arg8 : memref<!tpu.dma_semaphore, #tpu.memory_space<semaphore_mem>>) src(%dma_wait3A_177 : memref<1000000x32xf32, #tpu.memory_space<hbm>>) dst(%dma_wait3A_171 : memref<128x32xf32, #tpu.memory_space<vmem>>)
      %dma_wait3A_178 = arith.constant 0 : i32
      %dma_wait3A_179 = arith.constant 768 : i32
      %dma_wait3A_180 = arith.constant 0 : i32
      %dma_wait3A_181 = tpu.memref_slice %arg6[%dma_wait3A_179, %dma_wait3A_180] : memref<1280x32xf32, #tpu.memory_space<vmem>> -> memref<128x32xf32, #tpu.memory_space<vmem>>
      %dma_wait3A_182 = arith.constant 0 : i32
      %dma_wait3A_183 = tpu.memref_slice %arg5[%dma_wait3A_178, %dma_wait3A_182] : memref<200x128xi32, #tpu.memory_space<vmem>> -> memref<1x128xi32, #tpu.memory_space<vmem>>
      %dma_wait3A_184 = tpu.memref_squeeze %dma_wait3A_183 : memref<1x128xi32, #tpu.memory_space<vmem>> -> memref<128xi32, #tpu.memory_space<vmem>>
      %dma_wait3A_185 = arith.constant 0 : i32
      %dma_wait3A_186 = arith.constant 0 : i32
      %dma_wait3A_187 = tpu.memref_slice %arg2[%dma_wait3A_185, %dma_wait3A_186] : memref<1000000x32xf32, #tpu.memory_space<hbm>> -> memref<1000000x32xf32, #tpu.memory_space<hbm>>
      tpu.wait_indirect_dma semaphore(%arg8 : memref<!tpu.dma_semaphore, #tpu.memory_space<semaphore_mem>>) src(%dma_wait3A_187 : memref<1000000x32xf32, #tpu.memory_space<hbm>>) dst(%dma_wait3A_181 : memref<128x32xf32, #tpu.memory_space<vmem>>)
      %dma_wait3A_188 = arith.constant 0 : i32
      %dma_wait3A_189 = arith.constant 896 : i32
      %dma_wait3A_190 = arith.constant 0 : i32
      %dma_wait3A_191 = tpu.memref_slice %arg6[%dma_wait3A_189, %dma_wait3A_190] : memref<1280x32xf32, #tpu.memory_space<vmem>> -> memref<128x32xf32, #tpu.memory_space<vmem>>
      %dma_wait3A_192 = arith.constant 0 : i32
      %dma_wait3A_193 = tpu.memref_slice %arg5[%dma_wait3A_188, %dma_wait3A_192] : memref<200x128xi32, #tpu.memory_space<vmem>> -> memref<1x128xi32, #tpu.memory_space<vmem>>
      %dma_wait3A_194 = tpu.memref_squeeze %dma_wait3A_193 : memref<1x128xi32, #tpu.memory_space<vmem>> -> memref<128xi32, #tpu.memory_space<vmem>>
      %dma_wait3A_195 = arith.constant 0 : i32
      %dma_wait3A_196 = arith.constant 0 : i32
      %dma_wait3A_197 = tpu.memref_slice %arg2[%dma_wait3A_195, %dma_wait3A_196] : memref<1000000x32xf32, #tpu.memory_space<hbm>> -> memref<1000000x32xf32, #tpu.memory_space<hbm>>
      tpu.wait_indirect_dma semaphore(%arg8 : memref<!tpu.dma_semaphore, #tpu.memory_space<semaphore_mem>>) src(%dma_wait3A_197 : memref<1000000x32xf32, #tpu.memory_space<hbm>>) dst(%dma_wait3A_191 : memref<128x32xf32, #tpu.memory_space<vmem>>)
      %dma_wait3A_198 = arith.constant 0 : i32
      %dma_wait3A_199 = arith.constant 1024 : i32
      %dma_wait3A_200 = arith.constant 0 : i32
      %dma_wait3A_201 = tpu.memref_slice %arg6[%dma_wait3A_199, %dma_wait3A_200] : memref<1280x32xf32, #tpu.memory_space<vmem>> -> memref<128x32xf32, #tpu.memory_space<vmem>>
      %dma_wait3A_202 = arith.constant 0 : i32
      %dma_wait3A_203 = tpu.memref_slice %arg5[%dma_wait3A_198, %dma_wait3A_202] : memref<200x128xi32, #tpu.memory_space<vmem>> -> memref<1x128xi32, #tpu.memory_space<vmem>>
      %dma_wait3A_204 = tpu.memref_squeeze %dma_wait3A_203 : memref<1x128xi32, #tpu.memory_space<vmem>> -> memref<128xi32, #tpu.memory_space<vmem>>
      %dma_wait3A_205 = arith.constant 0 : i32
      %dma_wait3A_206 = arith.constant 0 : i32
      %dma_wait3A_207 = tpu.memref_slice %arg2[%dma_wait3A_205, %dma_wait3A_206] : memref<1000000x32xf32, #tpu.memory_space<hbm>> -> memref<1000000x32xf32, #tpu.memory_space<hbm>>
      tpu.wait_indirect_dma semaphore(%arg8 : memref<!tpu.dma_semaphore, #tpu.memory_space<semaphore_mem>>) src(%dma_wait3A_207 : memref<1000000x32xf32, #tpu.memory_space<hbm>>) dst(%dma_wait3A_201 : memref<128x32xf32, #tpu.memory_space<vmem>>)
      %dma_wait3A_208 = arith.constant 0 : i32
      %dma_wait3A_209 = arith.constant 1152 : i32
      %dma_wait3A_210 = arith.constant 0 : i32
      %dma_wait3A_211 = tpu.memref_slice %arg6[%dma_wait3A_209, %dma_wait3A_210] : memref<1280x32xf32, #tpu.memory_space<vmem>> -> memref<128x32xf32, #tpu.memory_space<vmem>>
      %dma_wait3A_212 = arith.constant 0 : i32
      %dma_wait3A_213 = tpu.memref_slice %arg5[%dma_wait3A_208, %dma_wait3A_212] : memref<200x128xi32, #tpu.memory_space<vmem>> -> memref<1x128xi32, #tpu.memory_space<vmem>>
      %dma_wait3A_214 = tpu.memref_squeeze %dma_wait3A_213 : memref<1x128xi32, #tpu.memory_space<vmem>> -> memref<128xi32, #tpu.memory_space<vmem>>
      %dma_wait3A_215 = arith.constant 0 : i32
      %dma_wait3A_216 = arith.constant 0 : i32
      %dma_wait3A_217 = tpu.memref_slice %arg2[%dma_wait3A_215, %dma_wait3A_216] : memref<1000000x32xf32, #tpu.memory_space<hbm>> -> memref<1000000x32xf32, #tpu.memory_space<hbm>>
      tpu.wait_indirect_dma semaphore(%arg8 : memref<!tpu.dma_semaphore, #tpu.memory_space<semaphore_mem>>) src(%dma_wait3A_217 : memref<1000000x32xf32, #tpu.memory_space<hbm>>) dst(%dma_wait3A_211 : memref<128x32xf32, #tpu.memory_space<vmem>>)
      %add3A_218 = arith.constant 1 : i32
      %add3A_219 = arith.addi %mul3A_117, %add3A_218 : i32
      %lt3A = arith.constant 20 : i32
      %lt3A_220 = arith.cmpi slt, %add3A_219, %lt3A : i32
      %convert_element_type3A = arith.extui %lt3A_220 : i1 to i32
      %cond3A = arith.constant 0 : i32
      %cond3A_221 = arith.cmpi ne, %convert_element_type3A, %cond3A : i32
      scf.if %cond3A_221 {
        %ge3A = arith.constant 1 : i32
        %ge3A_349 = arith.cmpi sge, %mul3A_117, %ge3A : i32
        %convert_element_type3A_350 = arith.extui %ge3A_349 : i1 to i32
        %cond3A_351 = arith.constant 0 : i32
        %cond3A_352 = arith.cmpi ne, %convert_element_type3A_350, %cond3A_351 : i32
        scf.if %cond3A_352 {
          %dma_wait3A_485 = arith.constant 0 : i32
          %dma_wait3A_486 = arith.constant 0 : i32
          %dma_wait3A_487 = arith.constant 0 : i32
          %dma_wait3A_488 = tpu.memref_slice %arg4[%dma_wait3A_485, %dma_wait3A_486, %dma_wait3A_487] : memref<640x1280x32xf32, #tpu.memory_space<hbm>> -> memref<1x1280x32xf32, #tpu.memory_space<hbm>>
          %dma_wait3A_489 = tpu.memref_squeeze %dma_wait3A_488 : memref<1x1280x32xf32, #tpu.memory_space<hbm>> -> memref<1280x32xf32, #tpu.memory_space<hbm>>
          %dma_wait3A_490 = arith.constant 0 : i32
          %dma_wait3A_491 = arith.constant 0 : i32
          %dma_wait3A_492 = tpu.memref_slice %arg4[%dma_wait3A_485, %dma_wait3A_490, %dma_wait3A_491] : memref<640x1280x32xf32, #tpu.memory_space<hbm>> -> memref<1x1280x32xf32, #tpu.memory_space<hbm>>
          %dma_wait3A_493 = tpu.memref_squeeze %dma_wait3A_492 : memref<1x1280x32xf32, #tpu.memory_space<hbm>> -> memref<1280x32xf32, #tpu.memory_space<hbm>>
          tpu.wait_dma2 semaphore(%arg11 : memref<!tpu.dma_semaphore, #tpu.memory_space<semaphore_mem>>) src(%arg7 : memref<1280x32xf32, #tpu.memory_space<vmem>>) dst(%dma_wait3A_493 : memref<1280x32xf32, #tpu.memory_space<hbm>>)
        } else {
        }
        %add3A_353 = arith.constant 1 : i32
        %add3A_354 = arith.addi %mul3A_117, %add3A_353 : i32
        %mul3A_355 = arith.constant 10 : i32
        %mul3A_356 = arith.muli %add3A_354, %mul3A_355 : i32
        %add3A_357 = arith.constant 0 : i32
        %add3A_358 = arith.addi %mul3A_356, %add3A_357 : i32
        %dma_start3A_359 = arith.constant 0 : i32
        %dma_start3A_360 = arith.constant 0 : i32
        %dma_start3A_361 = tpu.memref_slice %arg7[%dma_start3A_359, %dma_start3A_360] : memref<1280x32xf32, #tpu.memory_space<vmem>> -> memref<128x32xf32, #tpu.memory_space<vmem>>
        %dma_start3A_362 = arith.constant 0 : i32
        %dma_start3A_363 = tpu.memref_slice %arg5[%add3A_358, %dma_start3A_362] : memref<200x128xi32, #tpu.memory_space<vmem>> -> memref<1x128xi32, #tpu.memory_space<vmem>>
        %dma_start3A_364 = tpu.memref_squeeze %dma_start3A_363 : memref<1x128xi32, #tpu.memory_space<vmem>> -> memref<128xi32, #tpu.memory_space<vmem>>
        %dma_start3A_365 = arith.constant 0 : i32
        %dma_start3A_366 = arith.constant 0 : i32
        %dma_start3A_367 = tpu.memref_slice %arg2[%dma_start3A_365, %dma_start3A_366] : memref<1000000x32xf32, #tpu.memory_space<hbm>> -> memref<1000000x32xf32, #tpu.memory_space<hbm>>
        tpu.enqueue_indirect_dma source(%dma_start3A_367 : memref<1000000x32xf32, #tpu.memory_space<hbm>>) target(%dma_start3A_361 : memref<128x32xf32, #tpu.memory_space<vmem>>) offsets(%dma_start3A_364 : memref<128xi32, #tpu.memory_space<vmem>>) semaphore(%arg9 : memref<!tpu.dma_semaphore, #tpu.memory_space<semaphore_mem>>)
        %mul3A_368 = arith.constant 10 : i32
        %mul3A_369 = arith.muli %add3A_354, %mul3A_368 : i32
        %add3A_370 = arith.constant 1 : i32
        %add3A_371 = arith.addi %mul3A_369, %add3A_370 : i32
        %dma_start3A_372 = arith.constant 128 : i32
        %dma_start3A_373 = arith.constant 0 : i32
        %dma_start3A_374 = tpu.memref_slice %arg7[%dma_start3A_372, %dma_start3A_373] : memref<1280x32xf32, #tpu.memory_space<vmem>> -> memref<128x32xf32, #tpu.memory_space<vmem>>
        %dma_start3A_375 = arith.constant 0 : i32
        %dma_start3A_376 = tpu.memref_slice %arg5[%add3A_371, %dma_start3A_375] : memref<200x128xi32, #tpu.memory_space<vmem>> -> memref<1x128xi32, #tpu.memory_space<vmem>>
        %dma_start3A_377 = tpu.memref_squeeze %dma_start3A_376 : memref<1x128xi32, #tpu.memory_space<vmem>> -> memref<128xi32, #tpu.memory_space<vmem>>
        %dma_start3A_378 = arith.constant 0 : i32
        %dma_start3A_379 = arith.constant 0 : i32
        %dma_start3A_380 = tpu.memref_slice %arg2[%dma_start3A_378, %dma_start3A_379] : memref<1000000x32xf32, #tpu.memory_space<hbm>> -> memref<1000000x32xf32, #tpu.memory_space<hbm>>
        tpu.enqueue_indirect_dma source(%dma_start3A_380 : memref<1000000x32xf32, #tpu.memory_space<hbm>>) target(%dma_start3A_374 : memref<128x32xf32, #tpu.memory_space<vmem>>) offsets(%dma_start3A_377 : memref<128xi32, #tpu.memory_space<vmem>>) semaphore(%arg9 : memref<!tpu.dma_semaphore, #tpu.memory_space<semaphore_mem>>)
        %mul3A_381 = arith.constant 10 : i32
        %mul3A_382 = arith.muli %add3A_354, %mul3A_381 : i32
        %add3A_383 = arith.constant 2 : i32
        %add3A_384 = arith.addi %mul3A_382, %add3A_383 : i32
        %dma_start3A_385 = arith.constant 256 : i32
        %dma_start3A_386 = arith.constant 0 : i32
        %dma_start3A_387 = tpu.memref_slice %arg7[%dma_start3A_385, %dma_start3A_386] : memref<1280x32xf32, #tpu.memory_space<vmem>> -> memref<128x32xf32, #tpu.memory_space<vmem>>
        %dma_start3A_388 = arith.constant 0 : i32
        %dma_start3A_389 = tpu.memref_slice %arg5[%add3A_384, %dma_start3A_388] : memref<200x128xi32, #tpu.memory_space<vmem>> -> memref<1x128xi32, #tpu.memory_space<vmem>>
        %dma_start3A_390 = tpu.memref_squeeze %dma_start3A_389 : memref<1x128xi32, #tpu.memory_space<vmem>> -> memref<128xi32, #tpu.memory_space<vmem>>
        %dma_start3A_391 = arith.constant 0 : i32
        %dma_start3A_392 = arith.constant 0 : i32
        %dma_start3A_393 = tpu.memref_slice %arg2[%dma_start3A_391, %dma_start3A_392] : memref<1000000x32xf32, #tpu.memory_space<hbm>> -> memref<1000000x32xf32, #tpu.memory_space<hbm>>
        tpu.enqueue_indirect_dma source(%dma_start3A_393 : memref<1000000x32xf32, #tpu.memory_space<hbm>>) target(%dma_start3A_387 : memref<128x32xf32, #tpu.memory_space<vmem>>) offsets(%dma_start3A_390 : memref<128xi32, #tpu.memory_space<vmem>>) semaphore(%arg9 : memref<!tpu.dma_semaphore, #tpu.memory_space<semaphore_mem>>)
        %mul3A_394 = arith.constant 10 : i32
        %mul3A_395 = arith.muli %add3A_354, %mul3A_394 : i32
        %add3A_396 = arith.constant 3 : i32
        %add3A_397 = arith.addi %mul3A_395, %add3A_396 : i32
        %dma_start3A_398 = arith.constant 384 : i32
        %dma_start3A_399 = arith.constant 0 : i32
        %dma_start3A_400 = tpu.memref_slice %arg7[%dma_start3A_398, %dma_start3A_399] : memref<1280x32xf32, #tpu.memory_space<vmem>> -> memref<128x32xf32, #tpu.memory_space<vmem>>
        %dma_start3A_401 = arith.constant 0 : i32
        %dma_start3A_402 = tpu.memref_slice %arg5[%add3A_397, %dma_start3A_401] : memref<200x128xi32, #tpu.memory_space<vmem>> -> memref<1x128xi32, #tpu.memory_space<vmem>>
        %dma_start3A_403 = tpu.memref_squeeze %dma_start3A_402 : memref<1x128xi32, #tpu.memory_space<vmem>> -> memref<128xi32, #tpu.memory_space<vmem>>
        %dma_start3A_404 = arith.constant 0 : i32
        %dma_start3A_405 = arith.constant 0 : i32
        %dma_start3A_406 = tpu.memref_slice %arg2[%dma_start3A_404, %dma_start3A_405] : memref<1000000x32xf32, #tpu.memory_space<hbm>> -> memref<1000000x32xf32, #tpu.memory_space<hbm>>
        tpu.enqueue_indirect_dma source(%dma_start3A_406 : memref<1000000x32xf32, #tpu.memory_space<hbm>>) target(%dma_start3A_400 : memref<128x32xf32, #tpu.memory_space<vmem>>) offsets(%dma_start3A_403 : memref<128xi32, #tpu.memory_space<vmem>>) semaphore(%arg9 : memref<!tpu.dma_semaphore, #tpu.memory_space<semaphore_mem>>)
        %mul3A_407 = arith.constant 10 : i32
        %mul3A_408 = arith.muli %add3A_354, %mul3A_407 : i32
        %add3A_409 = arith.constant 4 : i32
        %add3A_410 = arith.addi %mul3A_408, %add3A_409 : i32
        %dma_start3A_411 = arith.constant 512 : i32
        %dma_start3A_412 = arith.constant 0 : i32
        %dma_start3A_413 = tpu.memref_slice %arg7[%dma_start3A_411, %dma_start3A_412] : memref<1280x32xf32, #tpu.memory_space<vmem>> -> memref<128x32xf32, #tpu.memory_space<vmem>>
        %dma_start3A_414 = arith.constant 0 : i32
        %dma_start3A_415 = tpu.memref_slice %arg5[%add3A_410, %dma_start3A_414] : memref<200x128xi32, #tpu.memory_space<vmem>> -> memref<1x128xi32, #tpu.memory_space<vmem>>
        %dma_start3A_416 = tpu.memref_squeeze %dma_start3A_415 : memref<1x128xi32, #tpu.memory_space<vmem>> -> memref<128xi32, #tpu.memory_space<vmem>>
        %dma_start3A_417 = arith.constant 0 : i32
        %dma_start3A_418 = arith.constant 0 : i32
        %dma_start3A_419 = tpu.memref_slice %arg2[%dma_start3A_417, %dma_start3A_418] : memref<1000000x32xf32, #tpu.memory_space<hbm>> -> memref<1000000x32xf32, #tpu.memory_space<hbm>>
        tpu.enqueue_indirect_dma source(%dma_start3A_419 : memref<1000000x32xf32, #tpu.memory_space<hbm>>) target(%dma_start3A_413 : memref<128x32xf32, #tpu.memory_space<vmem>>) offsets(%dma_start3A_416 : memref<128xi32, #tpu.memory_space<vmem>>) semaphore(%arg9 : memref<!tpu.dma_semaphore, #tpu.memory_space<semaphore_mem>>)
        %mul3A_420 = arith.constant 10 : i32
        %mul3A_421 = arith.muli %add3A_354, %mul3A_420 : i32
        %add3A_422 = arith.constant 5 : i32
        %add3A_423 = arith.addi %mul3A_421, %add3A_422 : i32
        %dma_start3A_424 = arith.constant 640 : i32
        %dma_start3A_425 = arith.constant 0 : i32
        %dma_start3A_426 = tpu.memref_slice %arg7[%dma_start3A_424, %dma_start3A_425] : memref<1280x32xf32, #tpu.memory_space<vmem>> -> memref<128x32xf32, #tpu.memory_space<vmem>>
        %dma_start3A_427 = arith.constant 0 : i32
        %dma_start3A_428 = tpu.memref_slice %arg5[%add3A_423, %dma_start3A_427] : memref<200x128xi32, #tpu.memory_space<vmem>> -> memref<1x128xi32, #tpu.memory_space<vmem>>
        %dma_start3A_429 = tpu.memref_squeeze %dma_start3A_428 : memref<1x128xi32, #tpu.memory_space<vmem>> -> memref<128xi32, #tpu.memory_space<vmem>>
        %dma_start3A_430 = arith.constant 0 : i32
        %dma_start3A_431 = arith.constant 0 : i32
        %dma_start3A_432 = tpu.memref_slice %arg2[%dma_start3A_430, %dma_start3A_431] : memref<1000000x32xf32, #tpu.memory_space<hbm>> -> memref<1000000x32xf32, #tpu.memory_space<hbm>>
        tpu.enqueue_indirect_dma source(%dma_start3A_432 : memref<1000000x32xf32, #tpu.memory_space<hbm>>) target(%dma_start3A_426 : memref<128x32xf32, #tpu.memory_space<vmem>>) offsets(%dma_start3A_429 : memref<128xi32, #tpu.memory_space<vmem>>) semaphore(%arg9 : memref<!tpu.dma_semaphore, #tpu.memory_space<semaphore_mem>>)
        %mul3A_433 = arith.constant 10 : i32
        %mul3A_434 = arith.muli %add3A_354, %mul3A_433 : i32
        %add3A_435 = arith.constant 6 : i32
        %add3A_436 = arith.addi %mul3A_434, %add3A_435 : i32
        %dma_start3A_437 = arith.constant 768 : i32
        %dma_start3A_438 = arith.constant 0 : i32
        %dma_start3A_439 = tpu.memref_slice %arg7[%dma_start3A_437, %dma_start3A_438] : memref<1280x32xf32, #tpu.memory_space<vmem>> -> memref<128x32xf32, #tpu.memory_space<vmem>>
        %dma_start3A_440 = arith.constant 0 : i32
        %dma_start3A_441 = tpu.memref_slice %arg5[%add3A_436, %dma_start3A_440] : memref<200x128xi32, #tpu.memory_space<vmem>> -> memref<1x128xi32, #tpu.memory_space<vmem>>
        %dma_start3A_442 = tpu.memref_squeeze %dma_start3A_441 : memref<1x128xi32, #tpu.memory_space<vmem>> -> memref<128xi32, #tpu.memory_space<vmem>>
        %dma_start3A_443 = arith.constant 0 : i32
        %dma_start3A_444 = arith.constant 0 : i32
        %dma_start3A_445 = tpu.memref_slice %arg2[%dma_start3A_443, %dma_start3A_444] : memref<1000000x32xf32, #tpu.memory_space<hbm>> -> memref<1000000x32xf32, #tpu.memory_space<hbm>>
        tpu.enqueue_indirect_dma source(%dma_start3A_445 : memref<1000000x32xf32, #tpu.memory_space<hbm>>) target(%dma_start3A_439 : memref<128x32xf32, #tpu.memory_space<vmem>>) offsets(%dma_start3A_442 : memref<128xi32, #tpu.memory_space<vmem>>) semaphore(%arg9 : memref<!tpu.dma_semaphore, #tpu.memory_space<semaphore_mem>>)
        %mul3A_446 = arith.constant 10 : i32
        %mul3A_447 = arith.muli %add3A_354, %mul3A_446 : i32
        %add3A_448 = arith.constant 7 : i32
        %add3A_449 = arith.addi %mul3A_447, %add3A_448 : i32
        %dma_start3A_450 = arith.constant 896 : i32
        %dma_start3A_451 = arith.constant 0 : i32
        %dma_start3A_452 = tpu.memref_slice %arg7[%dma_start3A_450, %dma_start3A_451] : memref<1280x32xf32, #tpu.memory_space<vmem>> -> memref<128x32xf32, #tpu.memory_space<vmem>>
        %dma_start3A_453 = arith.constant 0 : i32
        %dma_start3A_454 = tpu.memref_slice %arg5[%add3A_449, %dma_start3A_453] : memref<200x128xi32, #tpu.memory_space<vmem>> -> memref<1x128xi32, #tpu.memory_space<vmem>>
        %dma_start3A_455 = tpu.memref_squeeze %dma_start3A_454 : memref<1x128xi32, #tpu.memory_space<vmem>> -> memref<128xi32, #tpu.memory_space<vmem>>
        %dma_start3A_456 = arith.constant 0 : i32
        %dma_start3A_457 = arith.constant 0 : i32
        %dma_start3A_458 = tpu.memref_slice %arg2[%dma_start3A_456, %dma_start3A_457] : memref<1000000x32xf32, #tpu.memory_space<hbm>> -> memref<1000000x32xf32, #tpu.memory_space<hbm>>
        tpu.enqueue_indirect_dma source(%dma_start3A_458 : memref<1000000x32xf32, #tpu.memory_space<hbm>>) target(%dma_start3A_452 : memref<128x32xf32, #tpu.memory_space<vmem>>) offsets(%dma_start3A_455 : memref<128xi32, #tpu.memory_space<vmem>>) semaphore(%arg9 : memref<!tpu.dma_semaphore, #tpu.memory_space<semaphore_mem>>)
        %mul3A_459 = arith.constant 10 : i32
        %mul3A_460 = arith.muli %add3A_354, %mul3A_459 : i32
        %add3A_461 = arith.constant 8 : i32
        %add3A_462 = arith.addi %mul3A_460, %add3A_461 : i32
        %dma_start3A_463 = arith.constant 1024 : i32
        %dma_start3A_464 = arith.constant 0 : i32
        %dma_start3A_465 = tpu.memref_slice %arg7[%dma_start3A_463, %dma_start3A_464] : memref<1280x32xf32, #tpu.memory_space<vmem>> -> memref<128x32xf32, #tpu.memory_space<vmem>>
        %dma_start3A_466 = arith.constant 0 : i32
        %dma_start3A_467 = tpu.memref_slice %arg5[%add3A_462, %dma_start3A_466] : memref<200x128xi32, #tpu.memory_space<vmem>> -> memref<1x128xi32, #tpu.memory_space<vmem>>
        %dma_start3A_468 = tpu.memref_squeeze %dma_start3A_467 : memref<1x128xi32, #tpu.memory_space<vmem>> -> memref<128xi32, #tpu.memory_space<vmem>>
        %dma_start3A_469 = arith.constant 0 : i32
        %dma_start3A_470 = arith.constant 0 : i32
        %dma_start3A_471 = tpu.memref_slice %arg2[%dma_start3A_469, %dma_start3A_470] : memref<1000000x32xf32, #tpu.memory_space<hbm>> -> memref<1000000x32xf32, #tpu.memory_space<hbm>>
        tpu.enqueue_indirect_dma source(%dma_start3A_471 : memref<1000000x32xf32, #tpu.memory_space<hbm>>) target(%dma_start3A_465 : memref<128x32xf32, #tpu.memory_space<vmem>>) offsets(%dma_start3A_468 : memref<128xi32, #tpu.memory_space<vmem>>) semaphore(%arg9 : memref<!tpu.dma_semaphore, #tpu.memory_space<semaphore_mem>>)
        %mul3A_472 = arith.constant 10 : i32
        %mul3A_473 = arith.muli %add3A_354, %mul3A_472 : i32
        %add3A_474 = arith.constant 9 : i32
        %add3A_475 = arith.addi %mul3A_473, %add3A_474 : i32
        %dma_start3A_476 = arith.constant 1152 : i32
        %dma_start3A_477 = arith.constant 0 : i32
        %dma_start3A_478 = tpu.memref_slice %arg7[%dma_start3A_476, %dma_start3A_477] : memref<1280x32xf32, #tpu.memory_space<vmem>> -> memref<128x32xf32, #tpu.memory_space<vmem>>
        %dma_start3A_479 = arith.constant 0 : i32
        %dma_start3A_480 = tpu.memref_slice %arg5[%add3A_475, %dma_start3A_479] : memref<200x128xi32, #tpu.memory_space<vmem>> -> memref<1x128xi32, #tpu.memory_space<vmem>>
        %dma_start3A_481 = tpu.memref_squeeze %dma_start3A_480 : memref<1x128xi32, #tpu.memory_space<vmem>> -> memref<128xi32, #tpu.memory_space<vmem>>
        %dma_start3A_482 = arith.constant 0 : i32
        %dma_start3A_483 = arith.constant 0 : i32
        %dma_start3A_484 = tpu.memref_slice %arg2[%dma_start3A_482, %dma_start3A_483] : memref<1000000x32xf32, #tpu.memory_space<hbm>> -> memref<1000000x32xf32, #tpu.memory_space<hbm>>
        tpu.enqueue_indirect_dma source(%dma_start3A_484 : memref<1000000x32xf32, #tpu.memory_space<hbm>>) target(%dma_start3A_478 : memref<128x32xf32, #tpu.memory_space<vmem>>) offsets(%dma_start3A_481 : memref<128xi32, #tpu.memory_space<vmem>>) semaphore(%arg9 : memref<!tpu.dma_semaphore, #tpu.memory_space<semaphore_mem>>)
      } else {
      }
      %add3A_222 = arith.addi %mul3A_2, %mul3A_117 : i32
      %dma_start3A_223 = arith.constant 0 : i32
      %dma_start3A_224 = arith.constant 0 : i32
      %dma_start3A_225 = tpu.memref_slice %arg4[%add3A_222, %dma_start3A_223, %dma_start3A_224] : memref<640x1280x32xf32, #tpu.memory_space<hbm>> -> memref<1x1280x32xf32, #tpu.memory_space<hbm>>
      %dma_start3A_226 = tpu.memref_squeeze %dma_start3A_225 : memref<1x1280x32xf32, #tpu.memory_space<hbm>> -> memref<1280x32xf32, #tpu.memory_space<hbm>>
      %dma_start3A_227 = arith.constant 0 : i32
      %dma_start3A_228 = arith.constant 0 : i32
      %dma_start3A_229 = tpu.memref_slice %arg4[%add3A_222, %dma_start3A_227, %dma_start3A_228] : memref<640x1280x32xf32, #tpu.memory_space<hbm>> -> memref<1x1280x32xf32, #tpu.memory_space<hbm>>
      %dma_start3A_230 = tpu.memref_squeeze %dma_start3A_229 : memref<1x1280x32xf32, #tpu.memory_space<hbm>> -> memref<1280x32xf32, #tpu.memory_space<hbm>>
      tpu.enqueue_dma source(%arg6 : memref<1280x32xf32, #tpu.memory_space<vmem>>) target(%dma_start3A_230 : memref<1280x32xf32, #tpu.memory_space<hbm>>) target_semaphore(%arg10 : memref<!tpu.dma_semaphore, #tpu.memory_space<semaphore_mem>>)
      %add3A_231 = arith.constant 1 : i32
      %add3A_232 = arith.addi %mul3A_117, %add3A_231 : i32
      %dma_wait3A_233 = arith.constant 0 : i32
      %dma_wait3A_234 = arith.constant 0 : i32
      %dma_wait3A_235 = arith.constant 0 : i32
      %dma_wait3A_236 = tpu.memref_slice %arg7[%dma_wait3A_234, %dma_wait3A_235] : memref<1280x32xf32, #tpu.memory_space<vmem>> -> memref<128x32xf32, #tpu.memory_space<vmem>>
      %dma_wait3A_237 = arith.constant 0 : i32
      %dma_wait3A_238 = tpu.memref_slice %arg5[%dma_wait3A_233, %dma_wait3A_237] : memref<200x128xi32, #tpu.memory_space<vmem>> -> memref<1x128xi32, #tpu.memory_space<vmem>>
      %dma_wait3A_239 = tpu.memref_squeeze %dma_wait3A_238 : memref<1x128xi32, #tpu.memory_space<vmem>> -> memref<128xi32, #tpu.memory_space<vmem>>
      %dma_wait3A_240 = arith.constant 0 : i32
      %dma_wait3A_241 = arith.constant 0 : i32
      %dma_wait3A_242 = tpu.memref_slice %arg2[%dma_wait3A_240, %dma_wait3A_241] : memref<1000000x32xf32, #tpu.memory_space<hbm>> -> memref<1000000x32xf32, #tpu.memory_space<hbm>>
      tpu.wait_indirect_dma semaphore(%arg9 : memref<!tpu.dma_semaphore, #tpu.memory_space<semaphore_mem>>) src(%dma_wait3A_242 : memref<1000000x32xf32, #tpu.memory_space<hbm>>) dst(%dma_wait3A_236 : memref<128x32xf32, #tpu.memory_space<vmem>>)
      %dma_wait3A_243 = arith.constant 0 : i32
      %dma_wait3A_244 = arith.constant 128 : i32
      %dma_wait3A_245 = arith.constant 0 : i32
      %dma_wait3A_246 = tpu.memref_slice %arg7[%dma_wait3A_244, %dma_wait3A_245] : memref<1280x32xf32, #tpu.memory_space<vmem>> -> memref<128x32xf32, #tpu.memory_space<vmem>>
      %dma_wait3A_247 = arith.constant 0 : i32
      %dma_wait3A_248 = tpu.memref_slice %arg5[%dma_wait3A_243, %dma_wait3A_247] : memref<200x128xi32, #tpu.memory_space<vmem>> -> memref<1x128xi32, #tpu.memory_space<vmem>>
      %dma_wait3A_249 = tpu.memref_squeeze %dma_wait3A_248 : memref<1x128xi32, #tpu.memory_space<vmem>> -> memref<128xi32, #tpu.memory_space<vmem>>
      %dma_wait3A_250 = arith.constant 0 : i32
      %dma_wait3A_251 = arith.constant 0 : i32
      %dma_wait3A_252 = tpu.memref_slice %arg2[%dma_wait3A_250, %dma_wait3A_251] : memref<1000000x32xf32, #tpu.memory_space<hbm>> -> memref<1000000x32xf32, #tpu.memory_space<hbm>>
      tpu.wait_indirect_dma semaphore(%arg9 : memref<!tpu.dma_semaphore, #tpu.memory_space<semaphore_mem>>) src(%dma_wait3A_252 : memref<1000000x32xf32, #tpu.memory_space<hbm>>) dst(%dma_wait3A_246 : memref<128x32xf32, #tpu.memory_space<vmem>>)
      %dma_wait3A_253 = arith.constant 0 : i32
      %dma_wait3A_254 = arith.constant 256 : i32
      %dma_wait3A_255 = arith.constant 0 : i32
      %dma_wait3A_256 = tpu.memref_slice %arg7[%dma_wait3A_254, %dma_wait3A_255] : memref<1280x32xf32, #tpu.memory_space<vmem>> -> memref<128x32xf32, #tpu.memory_space<vmem>>
      %dma_wait3A_257 = arith.constant 0 : i32
      %dma_wait3A_258 = tpu.memref_slice %arg5[%dma_wait3A_253, %dma_wait3A_257] : memref<200x128xi32, #tpu.memory_space<vmem>> -> memref<1x128xi32, #tpu.memory_space<vmem>>
      %dma_wait3A_259 = tpu.memref_squeeze %dma_wait3A_258 : memref<1x128xi32, #tpu.memory_space<vmem>> -> memref<128xi32, #tpu.memory_space<vmem>>
      %dma_wait3A_260 = arith.constant 0 : i32
      %dma_wait3A_261 = arith.constant 0 : i32
      %dma_wait3A_262 = tpu.memref_slice %arg2[%dma_wait3A_260, %dma_wait3A_261] : memref<1000000x32xf32, #tpu.memory_space<hbm>> -> memref<1000000x32xf32, #tpu.memory_space<hbm>>
      tpu.wait_indirect_dma semaphore(%arg9 : memref<!tpu.dma_semaphore, #tpu.memory_space<semaphore_mem>>) src(%dma_wait3A_262 : memref<1000000x32xf32, #tpu.memory_space<hbm>>) dst(%dma_wait3A_256 : memref<128x32xf32, #tpu.memory_space<vmem>>)
      %dma_wait3A_263 = arith.constant 0 : i32
      %dma_wait3A_264 = arith.constant 384 : i32
      %dma_wait3A_265 = arith.constant 0 : i32
      %dma_wait3A_266 = tpu.memref_slice %arg7[%dma_wait3A_264, %dma_wait3A_265] : memref<1280x32xf32, #tpu.memory_space<vmem>> -> memref<128x32xf32, #tpu.memory_space<vmem>>
      %dma_wait3A_267 = arith.constant 0 : i32
      %dma_wait3A_268 = tpu.memref_slice %arg5[%dma_wait3A_263, %dma_wait3A_267] : memref<200x128xi32, #tpu.memory_space<vmem>> -> memref<1x128xi32, #tpu.memory_space<vmem>>
      %dma_wait3A_269 = tpu.memref_squeeze %dma_wait3A_268 : memref<1x128xi32, #tpu.memory_space<vmem>> -> memref<128xi32, #tpu.memory_space<vmem>>
      %dma_wait3A_270 = arith.constant 0 : i32
      %dma_wait3A_271 = arith.constant 0 : i32
      %dma_wait3A_272 = tpu.memref_slice %arg2[%dma_wait3A_270, %dma_wait3A_271] : memref<1000000x32xf32, #tpu.memory_space<hbm>> -> memref<1000000x32xf32, #tpu.memory_space<hbm>>
      tpu.wait_indirect_dma semaphore(%arg9 : memref<!tpu.dma_semaphore, #tpu.memory_space<semaphore_mem>>) src(%dma_wait3A_272 : memref<1000000x32xf32, #tpu.memory_space<hbm>>) dst(%dma_wait3A_266 : memref<128x32xf32, #tpu.memory_space<vmem>>)
      %dma_wait3A_273 = arith.constant 0 : i32
      %dma_wait3A_274 = arith.constant 512 : i32
      %dma_wait3A_275 = arith.constant 0 : i32
      %dma_wait3A_276 = tpu.memref_slice %arg7[%dma_wait3A_274, %dma_wait3A_275] : memref<1280x32xf32, #tpu.memory_space<vmem>> -> memref<128x32xf32, #tpu.memory_space<vmem>>
      %dma_wait3A_277 = arith.constant 0 : i32
      %dma_wait3A_278 = tpu.memref_slice %arg5[%dma_wait3A_273, %dma_wait3A_277] : memref<200x128xi32, #tpu.memory_space<vmem>> -> memref<1x128xi32, #tpu.memory_space<vmem>>
      %dma_wait3A_279 = tpu.memref_squeeze %dma_wait3A_278 : memref<1x128xi32, #tpu.memory_space<vmem>> -> memref<128xi32, #tpu.memory_space<vmem>>
      %dma_wait3A_280 = arith.constant 0 : i32
      %dma_wait3A_281 = arith.constant 0 : i32
      %dma_wait3A_282 = tpu.memref_slice %arg2[%dma_wait3A_280, %dma_wait3A_281] : memref<1000000x32xf32, #tpu.memory_space<hbm>> -> memref<1000000x32xf32, #tpu.memory_space<hbm>>
      tpu.wait_indirect_dma semaphore(%arg9 : memref<!tpu.dma_semaphore, #tpu.memory_space<semaphore_mem>>) src(%dma_wait3A_282 : memref<1000000x32xf32, #tpu.memory_space<hbm>>) dst(%dma_wait3A_276 : memref<128x32xf32, #tpu.memory_space<vmem>>)
      %dma_wait3A_283 = arith.constant 0 : i32
      %dma_wait3A_284 = arith.constant 640 : i32
      %dma_wait3A_285 = arith.constant 0 : i32
      %dma_wait3A_286 = tpu.memref_slice %arg7[%dma_wait3A_284, %dma_wait3A_285] : memref<1280x32xf32, #tpu.memory_space<vmem>> -> memref<128x32xf32, #tpu.memory_space<vmem>>
      %dma_wait3A_287 = arith.constant 0 : i32
      %dma_wait3A_288 = tpu.memref_slice %arg5[%dma_wait3A_283, %dma_wait3A_287] : memref<200x128xi32, #tpu.memory_space<vmem>> -> memref<1x128xi32, #tpu.memory_space<vmem>>
      %dma_wait3A_289 = tpu.memref_squeeze %dma_wait3A_288 : memref<1x128xi32, #tpu.memory_space<vmem>> -> memref<128xi32, #tpu.memory_space<vmem>>
      %dma_wait3A_290 = arith.constant 0 : i32
      %dma_wait3A_291 = arith.constant 0 : i32
      %dma_wait3A_292 = tpu.memref_slice %arg2[%dma_wait3A_290, %dma_wait3A_291] : memref<1000000x32xf32, #tpu.memory_space<hbm>> -> memref<1000000x32xf32, #tpu.memory_space<hbm>>
      tpu.wait_indirect_dma semaphore(%arg9 : memref<!tpu.dma_semaphore, #tpu.memory_space<semaphore_mem>>) src(%dma_wait3A_292 : memref<1000000x32xf32, #tpu.memory_space<hbm>>) dst(%dma_wait3A_286 : memref<128x32xf32, #tpu.memory_space<vmem>>)
      %dma_wait3A_293 = arith.constant 0 : i32
      %dma_wait3A_294 = arith.constant 768 : i32
      %dma_wait3A_295 = arith.constant 0 : i32
      %dma_wait3A_296 = tpu.memref_slice %arg7[%dma_wait3A_294, %dma_wait3A_295] : memref<1280x32xf32, #tpu.memory_space<vmem>> -> memref<128x32xf32, #tpu.memory_space<vmem>>
      %dma_wait3A_297 = arith.constant 0 : i32
      %dma_wait3A_298 = tpu.memref_slice %arg5[%dma_wait3A_293, %dma_wait3A_297] : memref<200x128xi32, #tpu.memory_space<vmem>> -> memref<1x128xi32, #tpu.memory_space<vmem>>
      %dma_wait3A_299 = tpu.memref_squeeze %dma_wait3A_298 : memref<1x128xi32, #tpu.memory_space<vmem>> -> memref<128xi32, #tpu.memory_space<vmem>>
      %dma_wait3A_300 = arith.constant 0 : i32
      %dma_wait3A_301 = arith.constant 0 : i32
      %dma_wait3A_302 = tpu.memref_slice %arg2[%dma_wait3A_300, %dma_wait3A_301] : memref<1000000x32xf32, #tpu.memory_space<hbm>> -> memref<1000000x32xf32, #tpu.memory_space<hbm>>
      tpu.wait_indirect_dma semaphore(%arg9 : memref<!tpu.dma_semaphore, #tpu.memory_space<semaphore_mem>>) src(%dma_wait3A_302 : memref<1000000x32xf32, #tpu.memory_space<hbm>>) dst(%dma_wait3A_296 : memref<128x32xf32, #tpu.memory_space<vmem>>)
      %dma_wait3A_303 = arith.constant 0 : i32
      %dma_wait3A_304 = arith.constant 896 : i32
      %dma_wait3A_305 = arith.constant 0 : i32
      %dma_wait3A_306 = tpu.memref_slice %arg7[%dma_wait3A_304, %dma_wait3A_305] : memref<1280x32xf32, #tpu.memory_space<vmem>> -> memref<128x32xf32, #tpu.memory_space<vmem>>
      %dma_wait3A_307 = arith.constant 0 : i32
      %dma_wait3A_308 = tpu.memref_slice %arg5[%dma_wait3A_303, %dma_wait3A_307] : memref<200x128xi32, #tpu.memory_space<vmem>> -> memref<1x128xi32, #tpu.memory_space<vmem>>
      %dma_wait3A_309 = tpu.memref_squeeze %dma_wait3A_308 : memref<1x128xi32, #tpu.memory_space<vmem>> -> memref<128xi32, #tpu.memory_space<vmem>>
      %dma_wait3A_310 = arith.constant 0 : i32
      %dma_wait3A_311 = arith.constant 0 : i32
      %dma_wait3A_312 = tpu.memref_slice %arg2[%dma_wait3A_310, %dma_wait3A_311] : memref<1000000x32xf32, #tpu.memory_space<hbm>> -> memref<1000000x32xf32, #tpu.memory_space<hbm>>
      tpu.wait_indirect_dma semaphore(%arg9 : memref<!tpu.dma_semaphore, #tpu.memory_space<semaphore_mem>>) src(%dma_wait3A_312 : memref<1000000x32xf32, #tpu.memory_space<hbm>>) dst(%dma_wait3A_306 : memref<128x32xf32, #tpu.memory_space<vmem>>)
      %dma_wait3A_313 = arith.constant 0 : i32
      %dma_wait3A_314 = arith.constant 1024 : i32
      %dma_wait3A_315 = arith.constant 0 : i32
      %dma_wait3A_316 = tpu.memref_slice %arg7[%dma_wait3A_314, %dma_wait3A_315] : memref<1280x32xf32, #tpu.memory_space<vmem>> -> memref<128x32xf32, #tpu.memory_space<vmem>>
      %dma_wait3A_317 = arith.constant 0 : i32
      %dma_wait3A_318 = tpu.memref_slice %arg5[%dma_wait3A_313, %dma_wait3A_317] : memref<200x128xi32, #tpu.memory_space<vmem>> -> memref<1x128xi32, #tpu.memory_space<vmem>>
      %dma_wait3A_319 = tpu.memref_squeeze %dma_wait3A_318 : memref<1x128xi32, #tpu.memory_space<vmem>> -> memref<128xi32, #tpu.memory_space<vmem>>
      %dma_wait3A_320 = arith.constant 0 : i32
      %dma_wait3A_321 = arith.constant 0 : i32
      %dma_wait3A_322 = tpu.memref_slice %arg2[%dma_wait3A_320, %dma_wait3A_321] : memref<1000000x32xf32, #tpu.memory_space<hbm>> -> memref<1000000x32xf32, #tpu.memory_space<hbm>>
      tpu.wait_indirect_dma semaphore(%arg9 : memref<!tpu.dma_semaphore, #tpu.memory_space<semaphore_mem>>) src(%dma_wait3A_322 : memref<1000000x32xf32, #tpu.memory_space<hbm>>) dst(%dma_wait3A_316 : memref<128x32xf32, #tpu.memory_space<vmem>>)
      %dma_wait3A_323 = arith.constant 0 : i32
      %dma_wait3A_324 = arith.constant 1152 : i32
      %dma_wait3A_325 = arith.constant 0 : i32
      %dma_wait3A_326 = tpu.memref_slice %arg7[%dma_wait3A_324, %dma_wait3A_325] : memref<1280x32xf32, #tpu.memory_space<vmem>> -> memref<128x32xf32, #tpu.memory_space<vmem>>
      %dma_wait3A_327 = arith.constant 0 : i32
      %dma_wait3A_328 = tpu.memref_slice %arg5[%dma_wait3A_323, %dma_wait3A_327] : memref<200x128xi32, #tpu.memory_space<vmem>> -> memref<1x128xi32, #tpu.memory_space<vmem>>
      %dma_wait3A_329 = tpu.memref_squeeze %dma_wait3A_328 : memref<1x128xi32, #tpu.memory_space<vmem>> -> memref<128xi32, #tpu.memory_space<vmem>>
      %dma_wait3A_330 = arith.constant 0 : i32
      %dma_wait3A_331 = arith.constant 0 : i32
      %dma_wait3A_332 = tpu.memref_slice %arg2[%dma_wait3A_330, %dma_wait3A_331] : memref<1000000x32xf32, #tpu.memory_space<hbm>> -> memref<1000000x32xf32, #tpu.memory_space<hbm>>
      tpu.wait_indirect_dma semaphore(%arg9 : memref<!tpu.dma_semaphore, #tpu.memory_space<semaphore_mem>>) src(%dma_wait3A_332 : memref<1000000x32xf32, #tpu.memory_space<hbm>>) dst(%dma_wait3A_326 : memref<128x32xf32, #tpu.memory_space<vmem>>)
      %add3A_333 = arith.constant 1 : i32
      %add3A_334 = arith.addi %add3A_232, %add3A_333 : i32
      %lt3A_335 = arith.constant 20 : i32
      %lt3A_336 = arith.cmpi slt, %add3A_334, %lt3A_335 : i32
      %convert_element_type3A_337 = arith.extui %lt3A_336 : i1 to i32
      %cond3A_338 = arith.constant 0 : i32
      %cond3A_339 = arith.cmpi ne, %convert_element_type3A_337, %cond3A_338 : i32
      scf.if %cond3A_339 {
        %ge3A = arith.constant 1 : i32
        %ge3A_349 = arith.cmpi sge, %add3A_232, %ge3A : i32
        %convert_element_type3A_350 = arith.extui %ge3A_349 : i1 to i32
        %cond3A_351 = arith.constant 0 : i32
        %cond3A_352 = arith.cmpi ne, %convert_element_type3A_350, %cond3A_351 : i32
        scf.if %cond3A_352 {
          %dma_wait3A_485 = arith.constant 0 : i32
          %dma_wait3A_486 = arith.constant 0 : i32
          %dma_wait3A_487 = arith.constant 0 : i32
          %dma_wait3A_488 = tpu.memref_slice %arg4[%dma_wait3A_485, %dma_wait3A_486, %dma_wait3A_487] : memref<640x1280x32xf32, #tpu.memory_space<hbm>> -> memref<1x1280x32xf32, #tpu.memory_space<hbm>>
          %dma_wait3A_489 = tpu.memref_squeeze %dma_wait3A_488 : memref<1x1280x32xf32, #tpu.memory_space<hbm>> -> memref<1280x32xf32, #tpu.memory_space<hbm>>
          %dma_wait3A_490 = arith.constant 0 : i32
          %dma_wait3A_491 = arith.constant 0 : i32
          %dma_wait3A_492 = tpu.memref_slice %arg4[%dma_wait3A_485, %dma_wait3A_490, %dma_wait3A_491] : memref<640x1280x32xf32, #tpu.memory_space<hbm>> -> memref<1x1280x32xf32, #tpu.memory_space<hbm>>
          %dma_wait3A_493 = tpu.memref_squeeze %dma_wait3A_492 : memref<1x1280x32xf32, #tpu.memory_space<hbm>> -> memref<1280x32xf32, #tpu.memory_space<hbm>>
          tpu.wait_dma2 semaphore(%arg10 : memref<!tpu.dma_semaphore, #tpu.memory_space<semaphore_mem>>) src(%arg6 : memref<1280x32xf32, #tpu.memory_space<vmem>>) dst(%dma_wait3A_493 : memref<1280x32xf32, #tpu.memory_space<hbm>>)
        } else {
        }
        %add3A_353 = arith.constant 1 : i32
        %add3A_354 = arith.addi %add3A_232, %add3A_353 : i32
        %mul3A_355 = arith.constant 10 : i32
        %mul3A_356 = arith.muli %add3A_354, %mul3A_355 : i32
        %add3A_357 = arith.constant 0 : i32
        %add3A_358 = arith.addi %mul3A_356, %add3A_357 : i32
        %dma_start3A_359 = arith.constant 0 : i32
        %dma_start3A_360 = arith.constant 0 : i32
        %dma_start3A_361 = tpu.memref_slice %arg6[%dma_start3A_359, %dma_start3A_360] : memref<1280x32xf32, #tpu.memory_space<vmem>> -> memref<128x32xf32, #tpu.memory_space<vmem>>
        %dma_start3A_362 = arith.constant 0 : i32
        %dma_start3A_363 = tpu.memref_slice %arg5[%add3A_358, %dma_start3A_362] : memref<200x128xi32, #tpu.memory_space<vmem>> -> memref<1x128xi32, #tpu.memory_space<vmem>>
        %dma_start3A_364 = tpu.memref_squeeze %dma_start3A_363 : memref<1x128xi32, #tpu.memory_space<vmem>> -> memref<128xi32, #tpu.memory_space<vmem>>
        %dma_start3A_365 = arith.constant 0 : i32
        %dma_start3A_366 = arith.constant 0 : i32
        %dma_start3A_367 = tpu.memref_slice %arg2[%dma_start3A_365, %dma_start3A_366] : memref<1000000x32xf32, #tpu.memory_space<hbm>> -> memref<1000000x32xf32, #tpu.memory_space<hbm>>
        tpu.enqueue_indirect_dma source(%dma_start3A_367 : memref<1000000x32xf32, #tpu.memory_space<hbm>>) target(%dma_start3A_361 : memref<128x32xf32, #tpu.memory_space<vmem>>) offsets(%dma_start3A_364 : memref<128xi32, #tpu.memory_space<vmem>>) semaphore(%arg8 : memref<!tpu.dma_semaphore, #tpu.memory_space<semaphore_mem>>)
        %mul3A_368 = arith.constant 10 : i32
        %mul3A_369 = arith.muli %add3A_354, %mul3A_368 : i32
        %add3A_370 = arith.constant 1 : i32
        %add3A_371 = arith.addi %mul3A_369, %add3A_370 : i32
        %dma_start3A_372 = arith.constant 128 : i32
        %dma_start3A_373 = arith.constant 0 : i32
        %dma_start3A_374 = tpu.memref_slice %arg6[%dma_start3A_372, %dma_start3A_373] : memref<1280x32xf32, #tpu.memory_space<vmem>> -> memref<128x32xf32, #tpu.memory_space<vmem>>
        %dma_start3A_375 = arith.constant 0 : i32
        %dma_start3A_376 = tpu.memref_slice %arg5[%add3A_371, %dma_start3A_375] : memref<200x128xi32, #tpu.memory_space<vmem>> -> memref<1x128xi32, #tpu.memory_space<vmem>>
        %dma_start3A_377 = tpu.memref_squeeze %dma_start3A_376 : memref<1x128xi32, #tpu.memory_space<vmem>> -> memref<128xi32, #tpu.memory_space<vmem>>
        %dma_start3A_378 = arith.constant 0 : i32
        %dma_start3A_379 = arith.constant 0 : i32
        %dma_start3A_380 = tpu.memref_slice %arg2[%dma_start3A_378, %dma_start3A_379] : memref<1000000x32xf32, #tpu.memory_space<hbm>> -> memref<1000000x32xf32, #tpu.memory_space<hbm>>
        tpu.enqueue_indirect_dma source(%dma_start3A_380 : memref<1000000x32xf32, #tpu.memory_space<hbm>>) target(%dma_start3A_374 : memref<128x32xf32, #tpu.memory_space<vmem>>) offsets(%dma_start3A_377 : memref<128xi32, #tpu.memory_space<vmem>>) semaphore(%arg8 : memref<!tpu.dma_semaphore, #tpu.memory_space<semaphore_mem>>)
        %mul3A_381 = arith.constant 10 : i32
        %mul3A_382 = arith.muli %add3A_354, %mul3A_381 : i32
        %add3A_383 = arith.constant 2 : i32
        %add3A_384 = arith.addi %mul3A_382, %add3A_383 : i32
        %dma_start3A_385 = arith.constant 256 : i32
        %dma_start3A_386 = arith.constant 0 : i32
        %dma_start3A_387 = tpu.memref_slice %arg6[%dma_start3A_385, %dma_start3A_386] : memref<1280x32xf32, #tpu.memory_space<vmem>> -> memref<128x32xf32, #tpu.memory_space<vmem>>
        %dma_start3A_388 = arith.constant 0 : i32
        %dma_start3A_389 = tpu.memref_slice %arg5[%add3A_384, %dma_start3A_388] : memref<200x128xi32, #tpu.memory_space<vmem>> -> memref<1x128xi32, #tpu.memory_space<vmem>>
        %dma_start3A_390 = tpu.memref_squeeze %dma_start3A_389 : memref<1x128xi32, #tpu.memory_space<vmem>> -> memref<128xi32, #tpu.memory_space<vmem>>
        %dma_start3A_391 = arith.constant 0 : i32
        %dma_start3A_392 = arith.constant 0 : i32
        %dma_start3A_393 = tpu.memref_slice %arg2[%dma_start3A_391, %dma_start3A_392] : memref<1000000x32xf32, #tpu.memory_space<hbm>> -> memref<1000000x32xf32, #tpu.memory_space<hbm>>
        tpu.enqueue_indirect_dma source(%dma_start3A_393 : memref<1000000x32xf32, #tpu.memory_space<hbm>>) target(%dma_start3A_387 : memref<128x32xf32, #tpu.memory_space<vmem>>) offsets(%dma_start3A_390 : memref<128xi32, #tpu.memory_space<vmem>>) semaphore(%arg8 : memref<!tpu.dma_semaphore, #tpu.memory_space<semaphore_mem>>)
        %mul3A_394 = arith.constant 10 : i32
        %mul3A_395 = arith.muli %add3A_354, %mul3A_394 : i32
        %add3A_396 = arith.constant 3 : i32
        %add3A_397 = arith.addi %mul3A_395, %add3A_396 : i32
        %dma_start3A_398 = arith.constant 384 : i32
        %dma_start3A_399 = arith.constant 0 : i32
        %dma_start3A_400 = tpu.memref_slice %arg6[%dma_start3A_398, %dma_start3A_399] : memref<1280x32xf32, #tpu.memory_space<vmem>> -> memref<128x32xf32, #tpu.memory_space<vmem>>
        %dma_start3A_401 = arith.constant 0 : i32
        %dma_start3A_402 = tpu.memref_slice %arg5[%add3A_397, %dma_start3A_401] : memref<200x128xi32, #tpu.memory_space<vmem>> -> memref<1x128xi32, #tpu.memory_space<vmem>>
        %dma_start3A_403 = tpu.memref_squeeze %dma_start3A_402 : memref<1x128xi32, #tpu.memory_space<vmem>> -> memref<128xi32, #tpu.memory_space<vmem>>
        %dma_start3A_404 = arith.constant 0 : i32
        %dma_start3A_405 = arith.constant 0 : i32
        %dma_start3A_406 = tpu.memref_slice %arg2[%dma_start3A_404, %dma_start3A_405] : memref<1000000x32xf32, #tpu.memory_space<hbm>> -> memref<1000000x32xf32, #tpu.memory_space<hbm>>
        tpu.enqueue_indirect_dma source(%dma_start3A_406 : memref<1000000x32xf32, #tpu.memory_space<hbm>>) target(%dma_start3A_400 : memref<128x32xf32, #tpu.memory_space<vmem>>) offsets(%dma_start3A_403 : memref<128xi32, #tpu.memory_space<vmem>>) semaphore(%arg8 : memref<!tpu.dma_semaphore, #tpu.memory_space<semaphore_mem>>)
        %mul3A_407 = arith.constant 10 : i32
        %mul3A_408 = arith.muli %add3A_354, %mul3A_407 : i32
        %add3A_409 = arith.constant 4 : i32
        %add3A_410 = arith.addi %mul3A_408, %add3A_409 : i32
        %dma_start3A_411 = arith.constant 512 : i32
        %dma_start3A_412 = arith.constant 0 : i32
        %dma_start3A_413 = tpu.memref_slice %arg6[%dma_start3A_411, %dma_start3A_412] : memref<1280x32xf32, #tpu.memory_space<vmem>> -> memref<128x32xf32, #tpu.memory_space<vmem>>
        %dma_start3A_414 = arith.constant 0 : i32
        %dma_start3A_415 = tpu.memref_slice %arg5[%add3A_410, %dma_start3A_414] : memref<200x128xi32, #tpu.memory_space<vmem>> -> memref<1x128xi32, #tpu.memory_space<vmem>>
        %dma_start3A_416 = tpu.memref_squeeze %dma_start3A_415 : memref<1x128xi32, #tpu.memory_space<vmem>> -> memref<128xi32, #tpu.memory_space<vmem>>
        %dma_start3A_417 = arith.constant 0 : i32
        %dma_start3A_418 = arith.constant 0 : i32
        %dma_start3A_419 = tpu.memref_slice %arg2[%dma_start3A_417, %dma_start3A_418] : memref<1000000x32xf32, #tpu.memory_space<hbm>> -> memref<1000000x32xf32, #tpu.memory_space<hbm>>
        tpu.enqueue_indirect_dma source(%dma_start3A_419 : memref<1000000x32xf32, #tpu.memory_space<hbm>>) target(%dma_start3A_413 : memref<128x32xf32, #tpu.memory_space<vmem>>) offsets(%dma_start3A_416 : memref<128xi32, #tpu.memory_space<vmem>>) semaphore(%arg8 : memref<!tpu.dma_semaphore, #tpu.memory_space<semaphore_mem>>)
        %mul3A_420 = arith.constant 10 : i32
        %mul3A_421 = arith.muli %add3A_354, %mul3A_420 : i32
        %add3A_422 = arith.constant 5 : i32
        %add3A_423 = arith.addi %mul3A_421, %add3A_422 : i32
        %dma_start3A_424 = arith.constant 640 : i32
        %dma_start3A_425 = arith.constant 0 : i32
        %dma_start3A_426 = tpu.memref_slice %arg6[%dma_start3A_424, %dma_start3A_425] : memref<1280x32xf32, #tpu.memory_space<vmem>> -> memref<128x32xf32, #tpu.memory_space<vmem>>
        %dma_start3A_427 = arith.constant 0 : i32
        %dma_start3A_428 = tpu.memref_slice %arg5[%add3A_423, %dma_start3A_427] : memref<200x128xi32, #tpu.memory_space<vmem>> -> memref<1x128xi32, #tpu.memory_space<vmem>>
        %dma_start3A_429 = tpu.memref_squeeze %dma_start3A_428 : memref<1x128xi32, #tpu.memory_space<vmem>> -> memref<128xi32, #tpu.memory_space<vmem>>
        %dma_start3A_430 = arith.constant 0 : i32
        %dma_start3A_431 = arith.constant 0 : i32
        %dma_start3A_432 = tpu.memref_slice %arg2[%dma_start3A_430, %dma_start3A_431] : memref<1000000x32xf32, #tpu.memory_space<hbm>> -> memref<1000000x32xf32, #tpu.memory_space<hbm>>
        tpu.enqueue_indirect_dma source(%dma_start3A_432 : memref<1000000x32xf32, #tpu.memory_space<hbm>>) target(%dma_start3A_426 : memref<128x32xf32, #tpu.memory_space<vmem>>) offsets(%dma_start3A_429 : memref<128xi32, #tpu.memory_space<vmem>>) semaphore(%arg8 : memref<!tpu.dma_semaphore, #tpu.memory_space<semaphore_mem>>)
        %mul3A_433 = arith.constant 10 : i32
        %mul3A_434 = arith.muli %add3A_354, %mul3A_433 : i32
        %add3A_435 = arith.constant 6 : i32
        %add3A_436 = arith.addi %mul3A_434, %add3A_435 : i32
        %dma_start3A_437 = arith.constant 768 : i32
        %dma_start3A_438 = arith.constant 0 : i32
        %dma_start3A_439 = tpu.memref_slice %arg6[%dma_start3A_437, %dma_start3A_438] : memref<1280x32xf32, #tpu.memory_space<vmem>> -> memref<128x32xf32, #tpu.memory_space<vmem>>
        %dma_start3A_440 = arith.constant 0 : i32
        %dma_start3A_441 = tpu.memref_slice %arg5[%add3A_436, %dma_start3A_440] : memref<200x128xi32, #tpu.memory_space<vmem>> -> memref<1x128xi32, #tpu.memory_space<vmem>>
        %dma_start3A_442 = tpu.memref_squeeze %dma_start3A_441 : memref<1x128xi32, #tpu.memory_space<vmem>> -> memref<128xi32, #tpu.memory_space<vmem>>
        %dma_start3A_443 = arith.constant 0 : i32
        %dma_start3A_444 = arith.constant 0 : i32
        %dma_start3A_445 = tpu.memref_slice %arg2[%dma_start3A_443, %dma_start3A_444] : memref<1000000x32xf32, #tpu.memory_space<hbm>> -> memref<1000000x32xf32, #tpu.memory_space<hbm>>
        tpu.enqueue_indirect_dma source(%dma_start3A_445 : memref<1000000x32xf32, #tpu.memory_space<hbm>>) target(%dma_start3A_439 : memref<128x32xf32, #tpu.memory_space<vmem>>) offsets(%dma_start3A_442 : memref<128xi32, #tpu.memory_space<vmem>>) semaphore(%arg8 : memref<!tpu.dma_semaphore, #tpu.memory_space<semaphore_mem>>)
        %mul3A_446 = arith.constant 10 : i32
        %mul3A_447 = arith.muli %add3A_354, %mul3A_446 : i32
        %add3A_448 = arith.constant 7 : i32
        %add3A_449 = arith.addi %mul3A_447, %add3A_448 : i32
        %dma_start3A_450 = arith.constant 896 : i32
        %dma_start3A_451 = arith.constant 0 : i32
        %dma_start3A_452 = tpu.memref_slice %arg6[%dma_start3A_450, %dma_start3A_451] : memref<1280x32xf32, #tpu.memory_space<vmem>> -> memref<128x32xf32, #tpu.memory_space<vmem>>
        %dma_start3A_453 = arith.constant 0 : i32
        %dma_start3A_454 = tpu.memref_slice %arg5[%add3A_449, %dma_start3A_453] : memref<200x128xi32, #tpu.memory_space<vmem>> -> memref<1x128xi32, #tpu.memory_space<vmem>>
        %dma_start3A_455 = tpu.memref_squeeze %dma_start3A_454 : memref<1x128xi32, #tpu.memory_space<vmem>> -> memref<128xi32, #tpu.memory_space<vmem>>
        %dma_start3A_456 = arith.constant 0 : i32
        %dma_start3A_457 = arith.constant 0 : i32
        %dma_start3A_458 = tpu.memref_slice %arg2[%dma_start3A_456, %dma_start3A_457] : memref<1000000x32xf32, #tpu.memory_space<hbm>> -> memref<1000000x32xf32, #tpu.memory_space<hbm>>
        tpu.enqueue_indirect_dma source(%dma_start3A_458 : memref<1000000x32xf32, #tpu.memory_space<hbm>>) target(%dma_start3A_452 : memref<128x32xf32, #tpu.memory_space<vmem>>) offsets(%dma_start3A_455 : memref<128xi32, #tpu.memory_space<vmem>>) semaphore(%arg8 : memref<!tpu.dma_semaphore, #tpu.memory_space<semaphore_mem>>)
        %mul3A_459 = arith.constant 10 : i32
        %mul3A_460 = arith.muli %add3A_354, %mul3A_459 : i32
        %add3A_461 = arith.constant 8 : i32
        %add3A_462 = arith.addi %mul3A_460, %add3A_461 : i32
        %dma_start3A_463 = arith.constant 1024 : i32
        %dma_start3A_464 = arith.constant 0 : i32
        %dma_start3A_465 = tpu.memref_slice %arg6[%dma_start3A_463, %dma_start3A_464] : memref<1280x32xf32, #tpu.memory_space<vmem>> -> memref<128x32xf32, #tpu.memory_space<vmem>>
        %dma_start3A_466 = arith.constant 0 : i32
        %dma_start3A_467 = tpu.memref_slice %arg5[%add3A_462, %dma_start3A_466] : memref<200x128xi32, #tpu.memory_space<vmem>> -> memref<1x128xi32, #tpu.memory_space<vmem>>
        %dma_start3A_468 = tpu.memref_squeeze %dma_start3A_467 : memref<1x128xi32, #tpu.memory_space<vmem>> -> memref<128xi32, #tpu.memory_space<vmem>>
        %dma_start3A_469 = arith.constant 0 : i32
        %dma_start3A_470 = arith.constant 0 : i32
        %dma_start3A_471 = tpu.memref_slice %arg2[%dma_start3A_469, %dma_start3A_470] : memref<1000000x32xf32, #tpu.memory_space<hbm>> -> memref<1000000x32xf32, #tpu.memory_space<hbm>>
        tpu.enqueue_indirect_dma source(%dma_start3A_471 : memref<1000000x32xf32, #tpu.memory_space<hbm>>) target(%dma_start3A_465 : memref<128x32xf32, #tpu.memory_space<vmem>>) offsets(%dma_start3A_468 : memref<128xi32, #tpu.memory_space<vmem>>) semaphore(%arg8 : memref<!tpu.dma_semaphore, #tpu.memory_space<semaphore_mem>>)
        %mul3A_472 = arith.constant 10 : i32
        %mul3A_473 = arith.muli %add3A_354, %mul3A_472 : i32
        %add3A_474 = arith.constant 9 : i32
        %add3A_475 = arith.addi %mul3A_473, %add3A_474 : i32
        %dma_start3A_476 = arith.constant 1152 : i32
        %dma_start3A_477 = arith.constant 0 : i32
        %dma_start3A_478 = tpu.memref_slice %arg6[%dma_start3A_476, %dma_start3A_477] : memref<1280x32xf32, #tpu.memory_space<vmem>> -> memref<128x32xf32, #tpu.memory_space<vmem>>
        %dma_start3A_479 = arith.constant 0 : i32
        %dma_start3A_480 = tpu.memref_slice %arg5[%add3A_475, %dma_start3A_479] : memref<200x128xi32, #tpu.memory_space<vmem>> -> memref<1x128xi32, #tpu.memory_space<vmem>>
        %dma_start3A_481 = tpu.memref_squeeze %dma_start3A_480 : memref<1x128xi32, #tpu.memory_space<vmem>> -> memref<128xi32, #tpu.memory_space<vmem>>
        %dma_start3A_482 = arith.constant 0 : i32
        %dma_start3A_483 = arith.constant 0 : i32
        %dma_start3A_484 = tpu.memref_slice %arg2[%dma_start3A_482, %dma_start3A_483] : memref<1000000x32xf32, #tpu.memory_space<hbm>> -> memref<1000000x32xf32, #tpu.memory_space<hbm>>
        tpu.enqueue_indirect_dma source(%dma_start3A_484 : memref<1000000x32xf32, #tpu.memory_space<hbm>>) target(%dma_start3A_478 : memref<128x32xf32, #tpu.memory_space<vmem>>) offsets(%dma_start3A_481 : memref<128xi32, #tpu.memory_space<vmem>>) semaphore(%arg8 : memref<!tpu.dma_semaphore, #tpu.memory_space<semaphore_mem>>)
      } else {
      }
      %add3A_340 = arith.addi %mul3A_2, %add3A_232 : i32
      %dma_start3A_341 = arith.constant 0 : i32
      %dma_start3A_342 = arith.constant 0 : i32
      %dma_start3A_343 = tpu.memref_slice %arg4[%add3A_340, %dma_start3A_341, %dma_start3A_342] : memref<640x1280x32xf32, #tpu.memory_space<hbm>> -> memref<1x1280x32xf32, #tpu.memory_space<hbm>>
      %dma_start3A_344 = tpu.memref_squeeze %dma_start3A_343 : memref<1x1280x32xf32, #tpu.memory_space<hbm>> -> memref<1280x32xf32, #tpu.memory_space<hbm>>
      %dma_start3A_345 = arith.constant 0 : i32
      %dma_start3A_346 = arith.constant 0 : i32
      %dma_start3A_347 = tpu.memref_slice %arg4[%add3A_340, %dma_start3A_345, %dma_start3A_346] : memref<640x1280x32xf32, #tpu.memory_space<hbm>> -> memref<1x1280x32xf32, #tpu.memory_space<hbm>>
      %dma_start3A_348 = tpu.memref_squeeze %dma_start3A_347 : memref<1x1280x32xf32, #tpu.memory_space<hbm>> -> memref<1280x32xf32, #tpu.memory_space<hbm>>
      tpu.enqueue_dma source(%arg7 : memref<1280x32xf32, #tpu.memory_space<vmem>>) target(%dma_start3A_348 : memref<1280x32xf32, #tpu.memory_space<hbm>>) target_semaphore(%arg11 : memref<!tpu.dma_semaphore, #tpu.memory_space<semaphore_mem>>)
    }
    %scan3A_106 = arith.constant 10 : i32
    %dma_wait3A = arith.constant 0 : i32
    %dma_wait3A_107 = arith.constant 0 : i32
    %dma_wait3A_108 = arith.constant 0 : i32
    %dma_wait3A_109 = tpu.memref_slice %arg4[%dma_wait3A, %dma_wait3A_107, %dma_wait3A_108] : memref<640x1280x32xf32, #tpu.memory_space<hbm>> -> memref<1x1280x32xf32, #tpu.memory_space<hbm>>
    %dma_wait3A_110 = tpu.memref_squeeze %dma_wait3A_109 : memref<1x1280x32xf32, #tpu.memory_space<hbm>> -> memref<1280x32xf32, #tpu.memory_space<hbm>>
    %dma_wait3A_111 = arith.constant 0 : i32
    %dma_wait3A_112 = arith.constant 0 : i32
    %dma_wait3A_113 = tpu.memref_slice %arg4[%dma_wait3A, %dma_wait3A_111, %dma_wait3A_112] : memref<640x1280x32xf32, #tpu.memory_space<hbm>> -> memref<1x1280x32xf32, #tpu.memory_space<hbm>>
    %dma_wait3A_114 = tpu.memref_squeeze %dma_wait3A_113 : memref<1x1280x32xf32, #tpu.memory_space<hbm>> -> memref<1280x32xf32, #tpu.memory_space<hbm>>
    tpu.wait_dma2 semaphore(%arg11 : memref<!tpu.dma_semaphore, #tpu.memory_space<semaphore_mem>>) src(%arg7 : memref<1280x32xf32, #tpu.memory_space<vmem>>) dst(%dma_wait3A_114 : memref<1280x32xf32, #tpu.memory_space<hbm>>)
    return
  }
}

module attributes {stable_mosaic.version = 14 : i64} {
  func.func @_seq_lens_body(%arg0: memref<4096x200xi32, #tpu.memory_space<vmem>>, %arg1: memref<4096xi32, #tpu.memory_space<vmem>>) attributes {dimension_semantics = [], scalar_prefetch = 0 : i64, scratch_operands = 0 : i64, tpu.core_type = #tpu.core_type<tc>} {
    %get3A = arith.constant 0 : index
    %get3A_0 = arith.constant 0 : index
    %get3A_1 = vector.load %arg0[%get3A, %get3A_0] : memref<4096x200xi32, #tpu.memory_space<vmem>>, vector<4096x200xi32>
    %ne3A = arith.constant 0 : i32
    %ne3A_2 = vector.broadcast %ne3A : i32 to vector<4096x200xi32>
    %ne3A_3 = arith.cmpi ne, %get3A_1, %ne3A_2 : vector<4096x200xi32>
    %convert_element_type3A = arith.extui %ne3A_3 : vector<4096x200xi1> to vector<4096x200xi32>
    %reduce_sum3A = arith.constant dense<0> : vector<4096xi32>
    %reduce_sum3A_4 = vector.multi_reduction <add>, %convert_element_type3A, %reduce_sum3A [1] : vector<4096x200xi32> to vector<4096xi32>
    %swap3A = arith.constant 0 : index
    %swap3A_5 = vector.load %arg1[%swap3A] : memref<4096xi32, #tpu.memory_space<vmem>>, vector<4096xi32>
    tpu.vector_store %arg1[%swap3A], %reduce_sum3A_4 {strides = array<i32>} : memref<4096xi32, #tpu.memory_space<vmem>>, vector<4096xi32>,
    return
  }
}

</mosaic_0001>

<sc_bundles>
// kernel: kernel.4.cloned.1.call-start
scs
__scs_entry_jumppad:
0x0: {  	(pc) =	sbr.rel $0x88, $3  }
0x1: {  	(tag) =	ssettag $0x0;
	lr =	simm.s32 $0x1  }
0x2: {  	[smem:$0x3F9F] =	sst lr;
	_ =	strace $0xD0000000  }
0x3: {  	_ = 	snop  }
0x4: {  	_ = 	snop  }
0x5: {  	_ = 	snop  }
0x6: {  	_ = 	snop  }
0x7: {  	_ = 	snop  }
__scs_overlays_trampoline_lowered:
0x8: {  	[smem:$0x3FAE] =	sst s0  }
0x9: {  	[smem:$0x3FAF] =	sst s1  }
0xa: {  	[smem:$0x3FB0] =	sst s2  }
0xb: {  	[smem:$0x3FB1] =	sst s3  }
0xc: {  	[smem:$0x3FB2] =	sst s4  }
0xd: {  	[smem:$0x3FB3] =	sst s5  }
0xe: {  	[smem:$0x3FB4] =	sst s6  }
0xf: {  	[smem:$0x3FB5] =	sst s7  }
0x10: {  	[smem:$0x3FB6] =	sst s8  }
0x11: {  	[smem:$0x3FB7] =	sst s9;
	s0 =	simm.s32 @!p0 $0x0  }
0x12: {  	s1 =	sld [smem:$0x3F9D];
	s0 =	simm.s32 @p0 $0x1  }
0x13: {  	[smem:$0x3FB8] =	sst s0;
	s0 =	simm.s32 @!p1 $0x0  }
0x14: {  	s2 =	sld [smem:$0x3F9C];
	s0 =	simm.s32 @p1 $0x1  }
0x15: {  	[smem:$0x3FB9] =	sst s0;
	s0 =	simm.s32 @!p2 $0x0  }
0x16: {  	s3 =	sld [smem:$0x3FDB];
	s0 =	simm.s32 @p2 $0x1  }
0x17: {  	s4 =	simm.s32 $0x1BF5;
	[smem:$0x3FBB] =	sst s0  }
0x18: {  	s0 =	sld [smem:$0x3F9E];
	_ =	swait.ge [sflag:s4], $0x0  }
0x19: {  	s7 =	sld [smem:$0x3F9F]  }
0x1a: {  	s8 =	sadd.s32 $0xFFFFE003, lr  }
0x1b: {  	s9 =	sadd.s32 $0xFFFFFEF7, lr;
	s5 =	simm.s32 $0xFFFFFFFF;
	p2 =	slt.u32 s8, $0xFFFFF086  }
0x1c: {  	p1 =	slt.u32 s9, $0xF7A;
	s5 =	simm.s32 @!p2 $0x0  }
0x1d: {  	s5 =	simm.s32 @p1 $0x1;
	p0 =	seq.s32 s7, s2  }
0x1e: {  	s7 =	smul.u32 @!p0 $0xF7A, s2;
	p2 =	seq.s32 @!p0 s5, $0x0  }
0x1f: {  	s9 =	smul.u32 $0xF7A, s1;
	s8 =	simm.s32 @!p0 $0x1BF5;
	p2 =	por !p2, p0  }
0x20: {  	[sflag:s8] =	ssyncset.s32 @!p0 $0xFFFFF086;
	s6 =	sadd.s32 @!p0 s3, s7;
	s7 =	simm.s32 @!p0 $0x108  }
0x21: {  	s3 =	sadd.s32 s3, s9;
	s6 =	sadd.s32 @!p0 $0x88, s6;
	s7 =	simm.s32 @p2 $0x1082  }
0x22: {  	[simem:s7], [sflag:s8] =	dma.local @!p0 [hbm:s6], $0xF7A  }
0x23: {  	s9 =	sor.u32 $0xD0000000, s2;
	s6 =	simm.s32 $0x108;
	_ =	swait.ge @!p0 [sflag:s8], $0x0  }
0x24: {  	s3 =	sadd.s32 $0x88, s3;
	s6 =	simm.s32 @!p1 $0x1082;
	[sflag:s4] =	ssyncset.s32 $0xFFFFF086  }
0x25: {  	[simem:s6], [sflag:s4] =	dma.local [hbm:s3], $0xF7A  }
0x26: {  	[smem:$0x3F9F] =	sst s1;
	(tag) =	ssettag s2;
	_ =	strace s9  }
0x27: {  	s1 =	sld [smem:$0x3FAF]  }
0x28: {  	s2 =	sld [smem:$0x3FB0]  }
0x29: {  	s4 =	sld [smem:$0x3FB2]  }
0x2a: {  	p0 =	seq.s32 s5, $0x0;
	s5 =	sld [smem:$0x3FB3]  }
0x2b: {  	s6 =	sld [smem:$0x3FB4]  }
0x2c: {  	s7 =	sld [smem:$0x3FB5]  }
0x2d: {  	s3 =	simm.s32 $0x108;
	s8 =	sld [smem:$0x3FB6]  }
0x2e: {  	s3 =	simm.s32 @!p0 $0x1082;
	s9 =	sld [smem:$0x3FB7]  }
0x2f: {  	lr =	sadd.s32 s0, s3;
	s0 =	sld [smem:$0x3FAE]  }
0x30: {  	s3 =	sld [smem:$0x3FB1]  }
0x31: {  	[smem:$0x3FBA] =	sst s10  }
0x32: {  	s10 =	sld [smem:$0x3FB8];
	_ =	sdelay $0x3  }
0x33: {  	p0 =	seq.s32 s10, $0x1;
	s10 =	sld [smem:$0x3FBA];
	_ =	sdelay $0x3  }
0x34: {  	[smem:$0x3FBA] =	sst s10  }
0x35: {  	s10 =	sld [smem:$0x3FB9];
	_ =	sdelay $0x3  }
0x36: {  	p1 =	seq.s32 s10, $0x1;
	s10 =	sld [smem:$0x3FBA];
	_ =	sdelay $0x3  }
0x37: {  	[smem:$0x3FBA] =	sst s10  }
0x38: {  	s10 =	sld [smem:$0x3FBB]  }
0x39: {  	_ = 	snop;
	(pc) =	sbr.ind lr, $3  }
0x3a: {  	_ = 	snop  }
0x3b: {  	_ = 	snop  }
0x3c: {  	p2 =	seq.s32 s10, $0x1;
	s10 =	sld [smem:$0x3FBA]  }
0x3d: {  	_ =	shalt  }
0x3e: {  	_ =	shalt  }
0x3f: {  	_ =	shalt  }
0x40: {  	_ =	shalt  }
0x41: {  	_ =	shalt  }
0x42: {  	_ =	shalt  }
0x43: {  	_ =	shalt  }
0x44: {  	_ =	shalt  }
0x45: {  	_ =	shalt  }
0x46: {  	_ =	shalt  }
0x47: {  	_ =	shalt  }
0x48: {  	_ =	shalt  }
0x49: {  	_ =	shalt  }
0x4a: {  	_ =	shalt  }
0x4b: {  	_ =	shalt  }
0x4c: {  	_ =	shalt  }
0x4d: {  	_ =	shalt  }
0x4e: {  	_ =	shalt  }
0x4f: {  	_ =	shalt  }
0x50: {  	_ =	shalt  }
0x51: {  	_ =	shalt  }
0x52: {  	_ =	shalt  }
0x53: {  	_ =	shalt  }
0x54: {  	_ =	shalt  }
0x55: {  	_ =	shalt  }
0x56: {  	_ =	shalt  }
0x57: {  	_ =	shalt  }
0x58: {  	_ =	shalt  }
0x59: {  	_ =	shalt  }
0x5a: {  	_ =	shalt  }
0x5b: {  	_ =	shalt  }
0x5c: {  	_ =	shalt  }
0x5d: {  	_ =	shalt  }
0x5e: {  	_ =	shalt  }
0x5f: {  	_ =	shalt  }
0x60: {  	_ =	shalt  }
0x61: {  	_ =	shalt  }
0x62: {  	_ =	shalt  }
0x63: {  	_ =	shalt  }
0x64: {  	_ =	shalt  }
0x65: {  	_ =	shalt  }
0x66: {  	_ =	shalt  }
0x67: {  	_ =	shalt  }
0x68: {  	_ =	shalt  }
0x69: {  	_ =	shalt  }
0x6a: {  	_ =	shalt  }
0x6b: {  	_ =	shalt  }
0x6c: {  	_ =	shalt  }
0x6d: {  	_ =	shalt  }
0x6e: {  	_ =	shalt  }
0x6f: {  	_ =	shalt  }
0x70: {  	_ =	shalt  }
0x71: {  	_ =	shalt  }
0x72: {  	_ =	shalt  }
0x73: {  	_ =	shalt  }
0x74: {  	_ =	shalt  }
0x75: {  	_ =	shalt  }
0x76: {  	_ =	shalt  }
0x77: {  	_ =	shalt  }
0x78: {  	_ =	shalt  }
0x79: {  	_ =	shalt  }
0x7a: {  	_ =	shalt  }
0x7b: {  	_ =	shalt  }
0x7c: {  	_ =	shalt  }
0x7d: {  	_ =	shalt  }
0x7e: {  	_ =	shalt  }
0x7f: {  	_ =	shalt  }
0x80: {  	_ =	shalt  }
0x81: {  	_ =	shalt  }
0x82: {  	_ =	shalt  }
0x83: {  	_ =	shalt  }
0x84: {  	_ =	shalt  }
0x85: {  	_ =	shalt  }
0x86: {  	_ =	shalt  }
0x87: {  	_ =	shalt  }
.Lfunc_end0:
.L_simem_size_0:
called_computation.1_lowered:
.L_overlay_start_0:
0x88: {  	s2 =	sld [smem:$0x3FD9]  }
0x89: {  	s3 =	sld [smem:$0x3FFE];
	_ =	sdelay $0x1  }
0x8a: {  	s1 =	srdreg.scid  }
0x8b: {  	s0 =	sand.u32 $0x1, s1  }
0x8c: {  	s14 =	sshll.u32 s0, $0xA;
	s2 =	sadd.s32 s3, s2  }
0x8d: {  	s2 =	sadd.s32 s2, s14  }
0x8e: {  	[smem:$0x3FC6] =	sst s2  }
0x8f: {  	_ = 	snop  }
0x90: {  	s2 =	sld [smem:$0x3FD0];
	_ =	sdelay $0x2  }
0x91: {  	s15 =	simm.s32 $0xA;
	s4 =	simm.s32 $0x10  }
0x92: {  	[smem:s4], [sflag:s15] =	dma.local [hbm:s2], $0x1  }
0x93: {  	_ =	swait.eq [sflag:s15], $0x1  }
0x94: {  	[sflag:s15] =	ssyncset.done $0x0  }
0x95: {  	[sflag:s15] =	ssyncadd.s32 $0xFFFFFFFF  }
0x96: {  	s16 =	sld [smem:$0x10];
	(tm) =	ssettm $0x1  }
0x97: {  	s17 =	sld [smem:$0x3FFB];
	_ =	sdelay $0x3  }
0x98: {  	_ =	strace s17  }
0x99: {  	s3 =	sld [smem:$0x3FFC];
	_ =	sdelay $0x3  }
0x9a: {  	_ =	strace s3  }
0x9b: {  	s3 =	sld [smem:$0x3FFD];
	_ =	sdelay $0x3  }
0x9c: {  	_ =	strace s3  }
0x9d: {  	_ =	strace $0x8FFFFFFF  }
0x9e: {  	s18 =	sld [smem:$0x3FDB];
	_ =	sdelay $0x1  }
0x9f: {  	s19 =	simm.s32 $_scs_section_size  }
0xa0: {  	s5 =	simm.s32 $_size__tile_overlayer_lowered;
	s6 =	simm.s32 $_tile_overlayer_lowered  }
0xa1: {  	s22 =	simm.s32 $0x1BFF;
	s21 =	sshll.u32 s6, $0x1;
	s3 =	sadd.s32 s19, s18  }
0xa2: {  	s7 =	simm.s32 $0x0;
	s20 =	sshll.u32 s5, $0x1;
	s5 =	sadd.s32 s21, s3  }
0xa3: {  	[timem:s7], [sflag:s22] =	dma.local [hbm:s5], s20  }
0xa4: {  	_ =	swait.ge [sflag:s22], s20  }
0xa5: {  	s4 =	ssub.s32 $0x0, s20;
	[sflag:s22] =	ssyncset.done $0x0  }
0xa6: {  	[sflag:s22] =	ssyncadd.s32 s4;
	_ =	sdelay $0x1  }
0xa7: {  	s23 =	simm.s32 $0x1B8B  }
0xa8: {  	_ =	swait.ge [sflag:s23], $0x1  }
0xa9: {  	[sflag:s23] =	ssyncset.done $0x0  }
0xaa: {  	s25 =	simm.s32 $0x1B8E;
	s24 =	sld [smem:$0x3FFE];
	[sflag:s23] =	ssyncadd.s32 $0xFFFFFFFF  }
0xab: {  	s26 =	simm.s32 $execute0_lowered;
	[smem:$0x3FD2] =	sst s25  }
0xac: {  	s5 =	sshll.u32 s26, $0x1;
	_ =	strace $0x80000046;
	[dreg:$0x1] =	wrdreg $0xFFFFFFFF  }
0xad: {  	s28 =	simm.s32 $_size_execute0_lowered;
	s3 =	sadd.s32 s3, s5;
	[dreg:$0x0] =	wrdreg $0x0  }
0xae: {  	s5 =	sshll.u32 s28, $0x1;
	[dreg:$0x2] =	wrdreg s3  }
0xaf: {  	[dreg:$0x3] =	wrdreg s5  }
0xb0: {  	[dreg:$0x4] =	wrdreg $0xC0  }
0xb1: {  	_ =	task [dreg:s7], $0x5FFFF  }
0xb2: {  	[dreg:$0x1] =	wrdreg $0xFFFFFFFF  }
0xb3: {  	[dreg:$0x0] =	wrdreg $0x60  }
0xb4: {  	[dreg:$0x2] =	wrdreg s24  }
0xb5: {  	[dreg:$0x3] =	wrdreg s16  }
0xb6: {  	[dreg:$0x4] =	wrdreg $0x9  }
0xb7: {  	_ =	task.clear_ibuf [dreg:s7], $0x5FFFF;
	_ =	strace $0x90000046  }
0xb8: {  	s29 =	simm.s32 $0x9;
	_ =	strace $0x80000048  }
0xb9: {  	_ =	swait.ge [sflag:s29], $0x1  }
0xba: {  	[sflag:s29] =	ssyncadd.s32 $0xFFFFFFFF  }
0xbb: {  	_ =	strace $0x90000048  }
0xbc: {  	_ =	sfence  }
0xbd: {  	s30 =	sld [smem:$0x0];
	_ =	sdelay $0x2  }
0xbe: {  	s31 =	sshll.u32 s1, $0xD;
	s1 =	sshrl.u32 s1, $0x2  }
0xbf: {  	s3 =	sand.u32 $0x4000, s31;
	s1 =	sadd.s32 s1, s30  }
0xc0: {  	s0 =	sor.u32 s3, s0;
	s1 =	sshll.u32 s1, $0x11  }
0xc1: {  	s0 =	sor.u32 s1, s0  }
0xc2: {  	s0 =	sadd.s32 $0x8F2B, s0  }
0xc3: {  	[sflag:s0] =	ssyncadd.remote.s32 $0x1  }
0xc4: {  	_ =	sfence.sel $0xFFFF  }
0xc5: {  	[dreg:$0x0] =	wrdreg $0xFFFFFFFF;
	(pc) =	sbr.abs _section_cstart, $3  }
0xc6: {  	[dreg:$0x1] =	wrdreg $0xFFFFFFFF  }
0xc7: {  	_ =	task.clear_ibuf [dreg:s7], $0x2FFFF;
	_ =	strace $0x9FFFFFFF  }
0xc8: {  	(tm) =	ssettm $0x7FFFFFFF  }
0xc9: {  	_ =	shalt  }
tec
execute0_lowered:
.L_overlay_start_1:
0x0: {  	(tag) =	ssettag $0x1  }
0x1: {  	s0 =	rddreg [dreg:$0x0]  }
0x2: {  	s1 =	srdreg.scid;
	s6 =	stileid.u32  }
0x3: {  	s4 =	rddreg [dreg:$0x1];
	s2 =	simm.s32 $0x0;
	s8 =	simm.s32 $0x6400  }
0x4: {  	s18 =	simm.s32 $0x11400;
	s19 =	simm.s32 $0x12400;
	s20 =	simm.s32 $0x13400  }
0x5: {  	s21 =	simm.s32 $0x14400;
	s22 =	simm.s32 $0x15400;
	s23 =	simm.s32 $0x16400  }
0x6: {  	s24 =	simm.s32 $0x17400;
	s25 =	simm.s32 $0x18400;
	s26 =	simm.s32 $0x19400  }
0x7: {  	s28 =	simm.s32 $0x10400;
	s29 =	simm.s32 $0x2;
	[smem:$0x7FF] =	sst s2  }
0x8: {  	s30 =	simm.s32 $0x4;
	_ =	strace $0x80000047;
	[dreg:$0x4] =	wrdreg s18  }
0x9: {  	s31 =	simm.s32 $0x0;
	s1 =	sand.u32 $0x1, s1;
	[dreg:$0x5] =	wrdreg s19  }
0xa: {  	s3 =	sshll.u32 s6, $0x1;
	s6 =	smul.u32 $0x32000, s6;
	[dreg:$0x6] =	wrdreg s20  }
0xb: {  	s3 =	sor.u32 s1, s3;
	s7 =	ssub.s32 $0x2, s1;
	[dreg:$0x7] =	wrdreg s21  }
0xc: {  	s1 =	smul.u32 $0x19000, s1;
	s18 =	simm.s32 $0x300;
	[dreg:$0x8] =	wrdreg s22  }
0xd: {  	s19 =	simm.s32 $0xC400;
	s20 =	simm.s32 $0x380;
	[dreg:$0x9] =	wrdreg s23  }
0xe: {  	s21 =	simm.s32 $0xD400;
	[dreg:$0xa] =	wrdreg s24;
	s22 =	simm.s32 $0x400  }
0xf: {  	[dreg:$0xb] =	wrdreg s25;
	s23 =	simm.s32 $0xE400;
	s24 =	simm.s32 $0x480  }
0x10: {  	[dreg:$0xc] =	wrdreg s26;
	s25 =	simm.s32 $0xF400;
	s26 =	simm.s32 $0x1  }
0x11: {  	s5 =	smul.u32 $0xC80, s3;
	s3 =	sadd.s32 $0xF43200, s0;
	s6 =	sadd.s32 s6, s4  }
0x12: {  	s16 =	sshrl.u32 s7, $0x1;
	s17 =	sadd.s32 s1, s6;
	s6 =	simm.s32 $0x5  }
0x13: {  	s0 =	sadd.s32 s5, s0;
	s5 =	ssub.s32 s7, s16;
	[dreg:$0x3] =	wrdreg s17  }
0x14: {  	s7 =	simm.s32 $0x80;
	s4 =	sadd.s32 $0x20E00, s0;
	s5 =	smax.u32 s5, $0x1  }
.LBB2_1:
0x15: {  	[tilespmem:s2], [sflag:$0x5] =	stream.linear.gather [hbm4b:s4+s2], $0x6400, $0x38;
	[tilespmem:$0x1A400] =	vst v63  }
0x16: {  	_ =	swait.ge [sflag:s6], $0x6400  }
0x17: {  	[sflag:s6] =	ssyncset.done $0x0  }
0x18: {  	[sflag:s6] =	ssyncadd.s32 $0xFFFF9C00  }
0x19: {  	[tilespmem:s8], [sflag:$0x1] =	stream.indirect.gather [hbm4b:s3+s7], $0x20, s2, s7, $0xb8;
	[tilespmem:$0x1A400] =	vst v63  }
0x1a: {  	s0 =	simm.s32 $0x7400  }
0x1b: {  	[tilespmem:s0], [sflag:$0x1] =	stream.indirect.gather [hbm4b:s3+s7], $0x20, s7, s7, $0xb8;
	[tilespmem:$0x1A400] =	vst v63  }
0x1c: {  	s9 =	simm.s32 $0x100;
	s1 =	simm.s32 $0x8400  }
0x1d: {  	[tilespmem:s1], [sflag:$0x1] =	stream.indirect.gather [hbm4b:s3+s7], $0x20, s9, s7, $0xb8;
	[tilespmem:$0x1A400] =	vst v63  }
0x1e: {  	s10 =	simm.s32 $0x180;
	s11 =	simm.s32 $0x9400  }
0x1f: {  	[tilespmem:s11], [sflag:$0x1] =	stream.indirect.gather [hbm4b:s3+s7], $0x20, s10, s7, $0xb8;
	[tilespmem:$0x1A400] =	vst v63  }
0x20: {  	s12 =	simm.s32 $0x200;
	s13 =	simm.s32 $0xA400  }
0x21: {  	[tilespmem:s13], [sflag:$0x1] =	stream.indirect.gather [hbm4b:s3+s7], $0x20, s12, s7, $0xb8;
	[tilespmem:$0x1A400] =	vst v63  }
0x22: {  	s14 =	simm.s32 $0x280;
	s15 =	simm.s32 $0xB400  }
0x23: {  	[tilespmem:s15], [sflag:$0x1] =	stream.indirect.gather [hbm4b:s3+s7], $0x20, s14, s7, $0xb8;
	[tilespmem:$0x1A400] =	vst v63  }
0x24: {  	_ = 	snop  }
0x25: {  	[tilespmem:s19], [sflag:$0x1] =	stream.indirect.gather [hbm4b:s3+s7], $0x20, s18, s7, $0xb8;
	[tilespmem:$0x1A400] =	vst v63  }
0x26: {  	_ = 	snop  }
0x27: {  	[tilespmem:s21], [sflag:$0x1] =	stream.indirect.gather [hbm4b:s3+s7], $0x20, s20, s7, $0xb8;
	[tilespmem:$0x1A400] =	vst v63  }
0x28: {  	_ = 	snop  }
0x29: {  	[tilespmem:s23], [sflag:$0x1] =	stream.indirect.gather [hbm4b:s3+s7], $0x20, s22, s7, $0xb8;
	[tilespmem:$0x1A400] =	vst v63  }
0x2a: {  	_ = 	snop  }
0x2b: {  	[tilespmem:s25], [sflag:$0x1] =	stream.indirect.gather [hbm4b:s3+s7], $0x20, s24, s7, $0xb8;
	[tilespmem:$0x1A400] =	vst v63  }
0x2c: {  	_ =	swait.ge [sflag:s26], $0x1000  }
0x2d: {  	[sflag:s26] =	ssyncset.done $0x0  }
0x2e: {  	[sflag:s26] =	ssyncadd.s32 $0xFFFFF000  }
0x2f: {  	_ =	swait.ge [sflag:s26], $0x1000  }
0x30: {  	[sflag:s26] =	ssyncset.done $0x0  }
0x31: {  	[sflag:s26] =	ssyncadd.s32 $0xFFFFF000  }
0x32: {  	_ =	swait.ge [sflag:s26], $0x1000  }
0x33: {  	[sflag:s26] =	ssyncset.done $0x0  }
0x34: {  	[sflag:s26] =	ssyncadd.s32 $0xFFFFF000  }
0x35: {  	_ =	swait.ge [sflag:s26], $0x1000  }
0x36: {  	[sflag:s26] =	ssyncset.done $0x0  }
0x37: {  	[sflag:s26] =	ssyncadd.s32 $0xFFFFF000  }
0x38: {  	_ =	swait.ge [sflag:s26], $0x1000  }
0x39: {  	[sflag:s26] =	ssyncset.done $0x0  }
0x3a: {  	[sflag:s26] =	ssyncadd.s32 $0xFFFFF000  }
0x3b: {  	_ =	swait.ge [sflag:s26], $0x1000  }
0x3c: {  	[sflag:s26] =	ssyncset.done $0x0  }
0x3d: {  	[sflag:s26] =	ssyncadd.s32 $0xFFFFF000  }
0x3e: {  	_ =	swait.ge [sflag:s26], $0x1000  }
0x3f: {  	[sflag:s26] =	ssyncset.done $0x0  }
0x40: {  	[sflag:s26] =	ssyncadd.s32 $0xFFFFF000  }
0x41: {  	_ =	swait.ge [sflag:s26], $0x1000  }
0x42: {  	[sflag:s26] =	ssyncset.done $0x0  }
0x43: {  	[sflag:s26] =	ssyncadd.s32 $0xFFFFF000  }
0x44: {  	_ =	swait.ge [sflag:s26], $0x1000  }
0x45: {  	[sflag:s26] =	ssyncset.done $0x0  }
0x46: {  	[sflag:s26] =	ssyncadd.s32 $0xFFFFF000  }
0x47: {  	_ =	swait.ge [sflag:s26], $0x1000  }
0x48: {  	p0 =	por $0x1, $0x1;
	[sflag:s26] =	ssyncset.done $0x0  }
0x49: {  	s0 =	simm.s32 @!p0 $0x4;
	[sflag:s26] =	ssyncadd.s32 $0xFFFFF000  }
0x4a: {  	_ =	swait.ge @!p0 [sflag:s0], $0xA000  }
0x4b: {  	[sflag:s0] =	ssyncset.done @!p0 $0x0  }
0x4c: {  	s16 =	simm.s32 $0x500;
	s1 =	rddreg [dreg:$0x3];
	[sflag:s0] =	ssyncadd.s32 @!p0 $0xFFFF6000  }
0x4d: {  	[tilespmem:s28], [sflag:$0x2] =	stream.indirect.gather [hbm4b:s3+s7], $0x20, s16, s7, $0xb8;
	[tilespmem:$0x1A400] =	vst v63  }
0x4e: {  	s17 =	simm.s32 $0x580;
	s9 =	rddreg [dreg:$0x4]  }
0x4f: {  	[tilespmem:s9], [sflag:$0x2] =	stream.indirect.gather [hbm4b:s3+s7], $0x20, s17, s7, $0xb8;
	[tilespmem:$0x1A400] =	vst v63  }
0x50: {  	s10 =	rddreg [dreg:$0x5];
	s9 =	simm.s32 $0x600  }
0x51: {  	[tilespmem:s10], [sflag:$0x2] =	stream.indirect.gather [hbm4b:s3+s7], $0x20, s9, s7, $0xb8;
	[tilespmem:$0x1A400] =	vst v63  }
0x52: {  	s12 =	simm.s32 $0x680;
	s11 =	rddreg [dreg:$0x6]  }
0x53: {  	[tilespmem:s11], [sflag:$0x2] =	stream.indirect.gather [hbm4b:s3+s7], $0x20, s12, s7, $0xb8;
	[tilespmem:$0x1A400] =	vst v63  }
0x54: {  	s14 =	simm.s32 $0x700;
	s13 =	rddreg [dreg:$0x7]  }
0x55: {  	[tilespmem:s13], [sflag:$0x2] =	stream.indirect.gather [hbm4b:s3+s7], $0x20, s14, s7, $0xb8;
	[tilespmem:$0x1A400] =	vst v63  }
0x56: {  	s15 =	rddreg [dreg:$0x8];
	s16 =	simm.s32 $0x780  }
0x57: {  	[tilespmem:s15], [sflag:$0x2] =	stream.indirect.gather [hbm4b:s3+s7], $0x20, s16, s7, $0xb8;
	[tilespmem:$0x1A400] =	vst v63  }
0x58: {  	s17 =	rddreg [dreg:$0x9];
	s9 =	simm.s32 $0x800  }
0x59: {  	[tilespmem:s17], [sflag:$0x2] =	stream.indirect.gather [hbm4b:s3+s7], $0x20, s9, s7, $0xb8;
	[tilespmem:$0x1A400] =	vst v63  }
0x5a: {  	s11 =	rddreg [dreg:$0xa];
	s12 =	simm.s32 $0x880  }
0x5b: {  	[tilespmem:s11], [sflag:$0x2] =	stream.indirect.gather [hbm4b:s3+s7], $0x20, s12, s7, $0xb8;
	[tilespmem:$0x1A400] =	vst v63  }
0x5c: {  	s13 =	rddreg [dreg:$0xb];
	s14 =	simm.s32 $0x900  }
0x5d: {  	[tilespmem:s13], [sflag:$0x2] =	stream.indirect.gather [hbm4b:s3+s7], $0x20, s14, s7, $0xb8;
	[tilespmem:$0x1A400] =	vst v63  }
0x5e: {  	s15 =	rddreg [dreg:$0xc];
	s16 =	simm.s32 $0x980  }
0x5f: {  	[tilespmem:s15], [sflag:$0x2] =	stream.indirect.gather [hbm4b:s3+s7], $0x20, s16, s7, $0xb8;
	[tilespmem:$0x1A400] =	vst v63  }
0x60: {  	s17 =	sadd.s32 $0x0, s1  }
0x61: {  	[hbm4b:s17+s2] =	stream.linear.scatter [tilespmem:s8], [sflag:$0x3], $0xA000, $0x38;
	[tilespmem:$0x1A400] =	vst v63  }
0x62: {  	_ =	swait.ge [sflag:s29], $0x1000  }
0x63: {  	[sflag:s29] =	ssyncset.done $0x0  }
0x64: {  	[sflag:s29] =	ssyncadd.s32 $0xFFFFF000  }
0x65: {  	_ =	swait.ge [sflag:s29], $0x1000  }
0x66: {  	[sflag:s29] =	ssyncset.done $0x0  }
0x67: {  	[sflag:s29] =	ssyncadd.s32 $0xFFFFF000  }
0x68: {  	_ =	swait.ge [sflag:s29], $0x1000  }
0x69: {  	[sflag:s29] =	ssyncset.done $0x0  }
0x6a: {  	[sflag:s29] =	ssyncadd.s32 $0xFFFFF000  }
0x6b: {  	_ =	swait.ge [sflag:s29], $0x1000  }
0x6c: {  	[sflag:s29] =	ssyncset.done $0x0  }
0x6d: {  	[sflag:s29] =	ssyncadd.s32 $0xFFFFF000  }
0x6e: {  	_ =	swait.ge [sflag:s29], $0x1000  }
0x6f: {  	[sflag:s29] =	ssyncset.done $0x0  }
0x70: {  	[sflag:s29] =	ssyncadd.s32 $0xFFFFF000  }
0x71: {  	_ =	swait.ge [sflag:s29], $0x1000  }
0x72: {  	[sflag:s29] =	ssyncset.done $0x0  }
0x73: {  	[sflag:s29] =	ssyncadd.s32 $0xFFFFF000  }
0x74: {  	_ =	swait.ge [sflag:s29], $0x1000  }
0x75: {  	[sflag:s29] =	ssyncset.done $0x0  }
0x76: {  	[sflag:s29] =	ssyncadd.s32 $0xFFFFF000  }
0x77: {  	_ =	swait.ge [sflag:s29], $0x1000  }
0x78: {  	[sflag:s29] =	ssyncset.done $0x0  }
0x79: {  	[sflag:s29] =	ssyncadd.s32 $0xFFFFF000  }
0x7a: {  	_ =	swait.ge [sflag:s29], $0x1000  }
0x7b: {  	[sflag:s29] =	ssyncset.done $0x0  }
0x7c: {  	[sflag:s29] =	ssyncadd.s32 $0xFFFFF000  }
0x7d: {  	_ =	swait.ge [sflag:s29], $0x1000  }
0x7e: {  	p0 =	por $0x0, $0x0;
	[sflag:s29] =	ssyncset.done $0x0  }
0x7f: {  	s1 =	simm.s32 @!p0 $0x3;
	[sflag:s29] =	ssyncadd.s32 $0xFFFFF000  }
0x80: {  	_ =	swait.ge @!p0 [sflag:s1], $0xA000  }
0x81: {  	s10 =	simm.s32 @!p0 $0x6400;
	[sflag:s1] =	ssyncset.done @!p0 $0x0  }
0x82: {  	s9 =	simm.s32 @!p0 $0xA00;
	[sflag:s1] =	ssyncadd.s32 @!p0 $0xFFFF6000;
	s1 =	simm.s32 @!p0 $0x80  }
0x83: {  	[tilespmem:s10], [sflag:$0x1] =	stream.indirect.gather @!p0 [hbm4b:s3+s1], $0x20, s9, s1, $0xb8;
	[tilespmem:$0x1A400] =	vst v63  }
0x84: {  	s9 =	simm.s32 @!p0 $0xA80;
	s10 =	simm.s32 @!p0 $0x7400  }
0x85: {  	[tilespmem:s10], [sflag:$0x1] =	stream.indirect.gather @!p0 [hbm4b:s3+s1], $0x20, s9, s1, $0xb8;
	[tilespmem:$0x1A400] =	vst v63  }
0x86: {  	s9 =	simm.s32 @!p0 $0xB00;
	s10 =	simm.s32 @!p0 $0x8400  }
0x87: {  	[tilespmem:s10], [sflag:$0x1] =	stream.indirect.gather @!p0 [hbm4b:s3+s1], $0x20, s9, s1, $0xb8;
	[tilespmem:$0x1A400] =	vst v63  }
0x88: {  	s9 =	simm.s32 @!p0 $0xB80;
	s10 =	simm.s32 @!p0 $0x9400  }
0x89: {  	[tilespmem:s10], [sflag:$0x1] =	stream.indirect.gather @!p0 [hbm4b:s3+s1], $0x20, s9, s1, $0xb8;
	[tilespmem:$0x1A400] =	vst v63  }
0x8a: {  	s9 =	simm.s32 @!p0 $0xC00;
	s10 =	simm.s32 @!p0 $0xA400  }
0x8b: {  	[tilespmem:s10], [sflag:$0x1] =	stream.indirect.gather @!p0 [hbm4b:s3+s1], $0x20, s9, s1, $0xb8;
	[tilespmem:$0x1A400] =	vst v63  }
0x8c: {  	s9 =	simm.s32 @!p0 $0xC80;
	s10 =	simm.s32 @!p0 $0xB400  }
0x8d: {  	[tilespmem:s10], [sflag:$0x1] =	stream.indirect.gather @!p0 [hbm4b:s3+s1], $0x20, s9, s1, $0xb8;
	[tilespmem:$0x1A400] =	vst v63  }
0x8e: {  	s9 =	simm.s32 @!p0 $0xD00;
	s10 =	simm.s32 @!p0 $0xC400  }
0x8f: {  	[tilespmem:s10], [sflag:$0x1] =	stream.indirect.gather @!p0 [hbm4b:s3+s1], $0x20, s9, s1, $0xb8;
	[tilespmem:$0x1A400] =	vst v63  }
0x90: {  	s9 =	simm.s32 @!p0 $0xD80;
	s10 =	simm.s32 @!p0 $0xD400  }
0x91: {  	[tilespmem:s10], [sflag:$0x1] =	stream.indirect.gather @!p0 [hbm4b:s3+s1], $0x20, s9, s1, $0xb8;
	[tilespmem:$0x1A400] =	vst v63  }
0x92: {  	s9 =	simm.s32 @!p0 $0xE00;
	s10 =	simm.s32 @!p0 $0xE400  }
0x93: {  	[tilespmem:s10], [sflag:$0x1] =	stream.indirect.gather @!p0 [hbm4b:s3+s1], $0x20, s9, s1, $0xb8;
	[tilespmem:$0x1A400] =	vst v63  }
0x94: {  	s9 =	simm.s32 @!p0 $0xE80;
	s10 =	simm.s32 @!p0 $0xF400  }
0x95: {  	[tilespmem:s10], [sflag:$0x1] =	stream.indirect.gather @!p0 [hbm4b:s3+s1], $0x20, s9, s1, $0xb8;
	[tilespmem:$0x1A400] =	vst v63  }
0x96: {  	s0 =	sadd.s32 $0x1400, s17;
	s1 =	simm.s32 $0x2800  }
.LBB2_2:
0x97: {  	[hbm4b:s0+s2] =	stream.linear.scatter [tilespmem:s28], [sflag:$0x4], $0xA000, $0x38;
	[tilespmem:$0x1A400] =	vst v63  }
0x98: {  	_ =	swait.ge [sflag:s26], $0x1000  }
0x99: {  	[sflag:s26] =	ssyncset.done $0x0  }
0x9a: {  	[sflag:s26] =	ssyncadd.s32 $0xFFFFF000  }
0x9b: {  	_ =	swait.ge [sflag:s26], $0x1000  }
0x9c: {  	[sflag:s26] =	ssyncset.done $0x0  }
0x9d: {  	[sflag:s26] =	ssyncadd.s32 $0xFFFFF000  }
0x9e: {  	_ =	swait.ge [sflag:s26], $0x1000  }
0x9f: {  	[sflag:s26] =	ssyncset.done $0x0  }
0xa0: {  	[sflag:s26] =	ssyncadd.s32 $0xFFFFF000  }
0xa1: {  	_ =	swait.ge [sflag:s26], $0x1000  }
0xa2: {  	[sflag:s26] =	ssyncset.done $0x0  }
0xa3: {  	[sflag:s26] =	ssyncadd.s32 $0xFFFFF000  }
0xa4: {  	_ =	swait.ge [sflag:s26], $0x1000  }
0xa5: {  	[sflag:s26] =	ssyncset.done $0x0  }
0xa6: {  	[sflag:s26] =	ssyncadd.s32 $0xFFFFF000  }
0xa7: {  	_ =	swait.ge [sflag:s26], $0x1000  }
0xa8: {  	[sflag:s26] =	ssyncset.done $0x0  }
0xa9: {  	[sflag:s26] =	ssyncadd.s32 $0xFFFFF000  }
0xaa: {  	_ =	swait.ge [sflag:s26], $0x1000  }
0xab: {  	[sflag:s26] =	ssyncset.done $0x0  }
0xac: {  	[sflag:s26] =	ssyncadd.s32 $0xFFFFF000  }
0xad: {  	_ =	swait.ge [sflag:s26], $0x1000  }
0xae: {  	[sflag:s26] =	ssyncset.done $0x0  }
0xaf: {  	[sflag:s26] =	ssyncadd.s32 $0xFFFFF000  }
0xb0: {  	_ =	swait.ge [sflag:s26], $0x1000  }
0xb1: {  	[sflag:s26] =	ssyncset.done $0x0  }
0xb2: {  	[sflag:s26] =	ssyncadd.s32 $0xFFFFF000  }
0xb3: {  	s0 =	smov.u32 s1;
	_ =	swait.ge [sflag:s26], $0x1000  }
0xb4: {  	p1 =	seq.s32 s0, $0x0;
	[sflag:s26] =	ssyncset.done $0x0  }
0xb5: {  	s9 =	simm.s32 @!p1 $0x4;
	[sflag:s26] =	ssyncadd.s32 $0xFFFFF000  }
0xb6: {  	_ =	swait.ge @!p1 [sflag:s9], $0xA000  }
0xb7: {  	s10 =	sshra.s32 s0, $0x2;
	[sflag:s9] =	ssyncset.done @!p1 $0x0  }
0xb8: {  	s14 =	sadd.s32 $0x500, s10;
	s11 =	rddreg [dreg:$0x3];
	[sflag:s9] =	ssyncadd.s32 @!p1 $0xFFFF6000  }
0xb9: {  	[tilespmem:s28], [sflag:$0x2] =	stream.indirect.gather [hbm4b:s3+s7], $0x20, s14, s7, $0xb8;
	[tilespmem:$0x1A400] =	vst v63  }
0xba: {  	s15 =	sadd.s32 $0x580, s10;
	s12 =	rddreg [dreg:$0x4]  }
0xbb: {  	[tilespmem:s12], [sflag:$0x2] =	stream.indirect.gather [hbm4b:s3+s7], $0x20, s15, s7, $0xb8;
	[tilespmem:$0x1A400] =	vst v63  }
0xbc: {  	s16 =	sadd.s32 $0x600, s10;
	s13 =	rddreg [dreg:$0x5]  }
0xbd: {  	[tilespmem:s13], [sflag:$0x2] =	stream.indirect.gather [hbm4b:s3+s7], $0x20, s16, s7, $0xb8;
	[tilespmem:$0x1A400] =	vst v63  }
0xbe: {  	s17 =	rddreg [dreg:$0x6];
	s14 =	sadd.s32 $0x680, s10  }
0xbf: {  	[tilespmem:s17], [sflag:$0x2] =	stream.indirect.gather [hbm4b:s3+s7], $0x20, s14, s7, $0xb8;
	[tilespmem:$0x1A400] =	vst v63  }
0xc0: {  	s15 =	rddreg [dreg:$0x7];
	s16 =	sadd.s32 $0x700, s10  }
0xc1: {  	[tilespmem:s15], [sflag:$0x2] =	stream.indirect.gather [hbm4b:s3+s7], $0x20, s16, s7, $0xb8;
	[tilespmem:$0x1A400] =	vst v63  }
0xc2: {  	s17 =	rddreg [dreg:$0x8];
	s14 =	sadd.s32 $0x780, s10  }
0xc3: {  	[tilespmem:s17], [sflag:$0x2] =	stream.indirect.gather [hbm4b:s3+s7], $0x20, s14, s7, $0xb8;
	[tilespmem:$0x1A400] =	vst v63  }
0xc4: {  	s15 =	rddreg [dreg:$0x9];
	s16 =	sadd.s32 $0x800, s10  }
0xc5: {  	[tilespmem:s15], [sflag:$0x2] =	stream.indirect.gather [hbm4b:s3+s7], $0x20, s16, s7, $0xb8;
	[tilespmem:$0x1A400] =	vst v63  }
0xc6: {  	s13 =	sadd.s32 $0x880, s10;
	s17 =	rddreg [dreg:$0xa]  }
0xc7: {  	[tilespmem:s17], [sflag:$0x2] =	stream.indirect.gather [hbm4b:s3+s7], $0x20, s13, s7, $0xb8;
	[tilespmem:$0x1A400] =	vst v63  }
0xc8: {  	s14 =	rddreg [dreg:$0xb];
	s15 =	sadd.s32 $0x900, s10  }
0xc9: {  	[tilespmem:s14], [sflag:$0x2] =	stream.indirect.gather [hbm4b:s3+s7], $0x20, s15, s7, $0xb8;
	[tilespmem:$0x1A400] =	vst v63  }
0xca: {  	s16 =	rddreg [dreg:$0xc];
	s17 =	sadd.s32 $0x980, s10  }
0xcb: {  	[tilespmem:s16], [sflag:$0x2] =	stream.indirect.gather [hbm4b:s3+s7], $0x20, s17, s7, $0xb8;
	[tilespmem:$0x1A400] =	vst v63  }
0xcc: {  	s9 =	sadd.s32 s0, s11  }
0xcd: {  	[hbm4b:s9+s2] =	stream.linear.scatter [tilespmem:s8], [sflag:$0x3], $0xA000, $0x38;
	[tilespmem:$0x1A400] =	vst v63  }
0xce: {  	_ =	swait.ge [sflag:s29], $0x1000  }
0xcf: {  	[sflag:s29] =	ssyncset.done $0x0  }
0xd0: {  	[sflag:s29] =	ssyncadd.s32 $0xFFFFF000  }
0xd1: {  	_ =	swait.ge [sflag:s29], $0x1000  }
0xd2: {  	[sflag:s29] =	ssyncset.done $0x0  }
0xd3: {  	[sflag:s29] =	ssyncadd.s32 $0xFFFFF000  }
0xd4: {  	_ =	swait.ge [sflag:s29], $0x1000  }
0xd5: {  	[sflag:s29] =	ssyncset.done $0x0  }
0xd6: {  	[sflag:s29] =	ssyncadd.s32 $0xFFFFF000  }
0xd7: {  	_ =	swait.ge [sflag:s29], $0x1000  }
0xd8: {  	[sflag:s29] =	ssyncset.done $0x0  }
0xd9: {  	[sflag:s29] =	ssyncadd.s32 $0xFFFFF000  }
0xda: {  	_ =	swait.ge [sflag:s29], $0x1000  }
0xdb: {  	[sflag:s29] =	ssyncset.done $0x0  }
0xdc: {  	[sflag:s29] =	ssyncadd.s32 $0xFFFFF000  }
0xdd: {  	_ =	swait.ge [sflag:s29], $0x1000  }
0xde: {  	[sflag:s29] =	ssyncset.done $0x0  }
0xdf: {  	[sflag:s29] =	ssyncadd.s32 $0xFFFFF000  }
0xe0: {  	_ =	swait.ge [sflag:s29], $0x1000  }
0xe1: {  	[sflag:s29] =	ssyncset.done $0x0  }
0xe2: {  	[sflag:s29] =	ssyncadd.s32 $0xFFFFF000  }
0xe3: {  	_ =	swait.ge [sflag:s29], $0x1000  }
0xe4: {  	[sflag:s29] =	ssyncset.done $0x0  }
0xe5: {  	[sflag:s29] =	ssyncadd.s32 $0xFFFFF000  }
0xe6: {  	_ =	swait.ge [sflag:s29], $0x1000  }
0xe7: {  	[sflag:s29] =	ssyncset.done $0x0  }
0xe8: {  	[sflag:s29] =	ssyncadd.s32 $0xFFFFF000  }
0xe9: {  	_ =	swait.ge [sflag:s29], $0x1000  }
0xea: {  	p1 =	seq.s32 s0, $0x16800;
	[sflag:s29] =	ssyncset.done $0x0  }
0xeb: {  	s10 =	simm.s32 @!p1 $0x3;
	[sflag:s29] =	ssyncadd.s32 $0xFFFFF000  }
0xec: {  	s0 =	sshra.s32 @!p1 s0, $0x2;
	_ =	swait.ge @!p1 [sflag:s10], $0xA000  }
0xed: {  	s11 =	sadd.s32 @!p1 $0xA00, s0;
	[sflag:s10] =	ssyncset.done @!p1 $0x0  }
0xee: {  	s15 =	simm.s32 @!p1 $0x6400;
	[sflag:s10] =	ssyncadd.s32 @!p1 $0xFFFF6000;
	s10 =	simm.s32 @!p1 $0x80  }
0xef: {  	[tilespmem:s15], [sflag:$0x1] =	stream.indirect.gather @!p1 [hbm4b:s3+s10], $0x20, s11, s10, $0xb8;
	[tilespmem:$0x1A400] =	vst v63  }
0xf0: {  	s12 =	sadd.s32 @!p1 $0xA80, s0;
	s11 =	simm.s32 @!p1 $0x7400  }
0xf1: {  	[tilespmem:s11], [sflag:$0x1] =	stream.indirect.gather @!p1 [hbm4b:s3+s10], $0x20, s12, s10, $0xb8;
	[tilespmem:$0x1A400] =	vst v63  }
0xf2: {  	s13 =	sadd.s32 @!p1 $0xB00, s0;
	s11 =	simm.s32 @!p1 $0x8400  }
0xf3: {  	[tilespmem:s11], [sflag:$0x1] =	stream.indirect.gather @!p1 [hbm4b:s3+s10], $0x20, s13, s10, $0xb8;
	[tilespmem:$0x1A400] =	vst v63  }
0xf4: {  	s14 =	sadd.s32 @!p1 $0xB80, s0;
	s11 =	simm.s32 @!p1 $0x9400  }
0xf5: {  	[tilespmem:s11], [sflag:$0x1] =	stream.indirect.gather @!p1 [hbm4b:s3+s10], $0x20, s14, s10, $0xb8;
	[tilespmem:$0x1A400] =	vst v63  }
0xf6: {  	s15 =	sadd.s32 @!p1 $0xC00, s0;
	s11 =	simm.s32 @!p1 $0xA400  }
0xf7: {  	[tilespmem:s11], [sflag:$0x1] =	stream.indirect.gather @!p1 [hbm4b:s3+s10], $0x20, s15, s10, $0xb8;
	[tilespmem:$0x1A400] =	vst v63  }
0xf8: {  	s16 =	sadd.s32 @!p1 $0xC80, s0;
	s11 =	simm.s32 @!p1 $0xB400  }
0xf9: {  	[tilespmem:s11], [sflag:$0x1] =	stream.indirect.gather @!p1 [hbm4b:s3+s10], $0x20, s16, s10, $0xb8;
	[tilespmem:$0x1A400] =	vst v63  }
0xfa: {  	s1 =	sadd.s32 $0x2800, s1;
	s12 =	sadd.s32 @!p1 $0xD00, s0;
	s11 =	simm.s32 @!p1 $0xC400  }
0xfb: {  	[tilespmem:s11], [sflag:$0x1] =	stream.indirect.gather @!p1 [hbm4b:s3+s10], $0x20, s12, s10, $0xb8;
	[tilespmem:$0x1A400] =	vst v63  }
0xfc: {  	p0 =	sne.s32 s1, $0x19000;
	s17 =	sadd.s32 @!p1 $0xD80, s0;
	s11 =	simm.s32 @!p1 $0xD400  }
0xfd: {  	[tilespmem:s11], [sflag:$0x1] =	stream.indirect.gather @!p1 [hbm4b:s3+s10], $0x20, s17, s10, $0xb8;
	[tilespmem:$0x1A400] =	vst v63  }
.Ltmp0:
0xfe: {  	s13 =	sadd.s32 @!p1 $0xE00, s0;
	s11 =	simm.s32 @!p1 $0xE400;
	(pc) =	sbr.rel @p0 .LBB2_2-.Ltmp0, $4  }
0xff: {  	[tilespmem:s11], [sflag:$0x1] =	stream.indirect.gather @!p1 [hbm4b:s3+s10], $0x20, s13, s10, $0xb8;
	[tilespmem:$0x1A400] =	vst v63  }
0x100: {  	s0 =	sadd.s32 @!p1 $0xE80, s0;
	s11 =	simm.s32 @!p1 $0xF400  }
0x101: {  	[tilespmem:s11], [sflag:$0x1] =	stream.indirect.gather @!p1 [hbm4b:s3+s10], $0x20, s0, s10, $0xb8;
	[tilespmem:$0x1A400] =	vst v63  }
0x102: {  	s0 =	sadd.s32 $0x1400, s9  }
0x103: {  	s31 =	sadd.s32 $0x1, s31  }
0x104: {  	p0 =	sne.s32 s31, s5  }
.Ltmp1:
0x105: {  	_ = 	snop;
	(pc) =	sbr.rel @p0 .LBB2_1-.Ltmp1, $4  }
0x106: {  	[hbm4b:s0+s2] =	stream.linear.scatter [tilespmem:s28], [sflag:$0x4], $0xA000, $0x38;
	[tilespmem:$0x1A400] =	vst v63  }
0x107: {  	_ =	swait.ge [sflag:s30], $0xA000  }
0x108: {  	[sflag:s30] =	ssyncset.done $0x0  }
0x109: {  	[sflag:s30] =	ssyncadd.s32 $0xFFFF6000  }
0x10a: {  	_ =	sfence.sel $0x180000  }
0x10b: {  	[bflag:$0x0] =	sbarrier.arrive $0xFFFF  }
0x10c: {  	_ =	strace $0x90000047  }
0x10d: {  	s0 =	stileid.u32;
	[bflag:$0x2] =	sbarrier.arrive $0xFFFF  }
0x10e: {  	p0 =	sne.s32 s0, $0x0;
	s0 =	rddreg [dreg:$0x2]  }
0x10f: {  	s0 =	sadd.s32 @!p0 $0x100000, s0  }
0x110: {  	[sflag:s0] =	ssyncadd.tile.s32 @!p0 $0x1;
	_ =	shalt  }
.Lfunc_end2:
_tile_overlayer_lowered:
.L_overlay_start_2:
0x111: {  	(tag) =	ssettag $0x2  }
0x112: {  	s0 =	rddreg [dreg:$0x0];
	s2 =	stileid.u32  }
0x113: {  	s1 =	rddreg [dreg:$0x1];
	p0 =	sne.s32 s2, $0x0  }
0x114: {  	s3 =	rddreg [dreg:$0x2];
	[bflag:$0x3] =	sbarrier.arrive $0xFFFF;
	s2 =	simm.s32 @!p0 $0x1C05  }
0x115: {  	[timem:s3], [sflag:s2] =	dma.local @!p0 [hbm:s0], s1  }
0x116: {  	s0 =	simm.s32 @!p0 $0x5  }
0x117: {  	_ =	swait.ge @!p0 [sflag:s0], s1  }
0x118: {  	s1 =	ssub.s32 @!p0 $0x0, s1;
	[sflag:s0] =	ssyncset.done @!p0 $0x0  }
0x119: {  	[sflag:s0] =	ssyncadd.s32 @!p0 s1  }
0x11a: {  	[bflag:$0x3] =	sbarrier.arrive $0xFFFF  }
0x11b: {  	_ =	shalt  }

// kernel: sparse-core-data-format-call.cloned.1.call-start
scs
called_computation_lowered:
.L_overlay_start_0:
0x0: {  	s2 =	sld [smem:$0x3FD9]  }
0x1: {  	s3 =	sld [smem:$0x3FFE];
	_ =	sdelay $0x1  }
0x2: {  	s1 =	srdreg.scid  }
0x3: {  	s0 =	sand.u32 $0x1, s1  }
0x4: {  	s15 =	sshll.u32 s0, $0xA;
	s2 =	sadd.s32 s3, s2  }
0x5: {  	s2 =	sadd.s32 s2, s15  }
0x6: {  	[smem:$0x3FC6] =	sst s2  }
0x7: {  	_ = 	snop  }
0x8: {  	s2 =	sld [smem:$0x3FD0];
	_ =	sdelay $0x2  }
0x9: {  	s16 =	simm.s32 $0xA;
	s4 =	simm.s32 $0x10  }
0xa: {  	[smem:s4], [sflag:s16] =	dma.local [hbm:s2], $0x1  }
0xb: {  	_ =	swait.eq [sflag:s16], $0x1  }
0xc: {  	[sflag:s16] =	ssyncset.done $0x0  }
0xd: {  	[sflag:s16] =	ssyncadd.s32 $0xFFFFFFFF  }
0xe: {  	s17 =	sld [smem:$0x10];
	(tm) =	ssettm $0x1  }
0xf: {  	s18 =	sld [smem:$0x3FFB];
	_ =	sdelay $0x3  }
0x10: {  	_ =	strace s18  }
0x11: {  	s3 =	sld [smem:$0x3FFC];
	_ =	sdelay $0x3  }
0x12: {  	_ =	strace s3  }
0x13: {  	s3 =	sld [smem:$0x3FFD];
	_ =	sdelay $0x3  }
0x14: {  	_ =	strace s3  }
0x15: {  	_ =	strace $0x8FFFFFFF  }
0x16: {  	s19 =	sld [smem:$0x3FDB];
	_ =	sdelay $0x1  }
0x17: {  	s20 =	simm.s32 $_scs_section_size  }
0x18: {  	s5 =	simm.s32 $_size__tile_overlayer_lowered;
	s6 =	simm.s32 $_tile_overlayer_lowered  }
0x19: {  	s23 =	simm.s32 $0x1BFF;
	s22 =	sshll.u32 s6, $0x1;
	s3 =	sadd.s32 s20, s19  }
0x1a: {  	s7 =	simm.s32 $0x0;
	s21 =	sshll.u32 s5, $0x1;
	s5 =	sadd.s32 s22, s3  }
0x1b: {  	[timem:s7], [sflag:s23] =	dma.local [hbm:s5], s21  }
0x1c: {  	_ =	swait.ge [sflag:s23], s21  }
0x1d: {  	s4 =	ssub.s32 $0x0, s21;
	[sflag:s23] =	ssyncset.done $0x0  }
0x1e: {  	[sflag:s23] =	ssyncadd.s32 s4;
	_ =	sdelay $0x1  }
0x1f: {  	s24 =	simm.s32 $0x1B8B  }
0x20: {  	_ =	swait.ge [sflag:s24], $0x1  }
0x21: {  	[sflag:s24] =	ssyncset.done $0x0  }
0x22: {  	s26 =	simm.s32 $0x1B8E;
	s25 =	sld [smem:$0x3FFE];
	[sflag:s24] =	ssyncadd.s32 $0xFFFFFFFF  }
0x23: {  	s27 =	simm.s32 $execute0_lowered;
	[smem:$0x3FD2] =	sst s26  }
0x24: {  	s5 =	sshll.u32 s27, $0x1;
	_ =	strace $0x80000049;
	[dreg:$0x1] =	wrdreg $0xFFFFFFFF  }
0x25: {  	s28 =	simm.s32 $_size_execute0_lowered;
	s3 =	sadd.s32 s3, s5;
	[dreg:$0x0] =	wrdreg $0x0  }
0x26: {  	s5 =	sshll.u32 s28, $0x1;
	[dreg:$0x2] =	wrdreg s3  }
0x27: {  	[dreg:$0x3] =	wrdreg s5  }
0x28: {  	[dreg:$0x4] =	wrdreg $0xC0  }
0x29: {  	_ =	task [dreg:s7], $0x5FFFF  }
0x2a: {  	[dreg:$0x1] =	wrdreg $0xFFFFFFFF  }
0x2b: {  	[dreg:$0x0] =	wrdreg $0x60  }
0x2c: {  	[dreg:$0x2] =	wrdreg s25  }
0x2d: {  	[dreg:$0x3] =	wrdreg s17  }
0x2e: {  	[dreg:$0x4] =	wrdreg $0x9  }
0x2f: {  	_ =	task.clear_ibuf [dreg:s7], $0x5FFFF;
	_ =	strace $0x90000049  }
0x30: {  	s29 =	simm.s32 $0x9;
	_ =	strace $0x8000004B  }
0x31: {  	_ =	swait.ge [sflag:s29], $0x1  }
0x32: {  	[sflag:s29] =	ssyncadd.s32 $0xFFFFFFFF  }
0x33: {  	_ =	strace $0x9000004B  }
0x34: {  	_ =	sfence  }
0x35: {  	s30 =	sld [smem:$0x0];
	_ =	sdelay $0x2  }
0x36: {  	s31 =	sshll.u32 s1, $0xD;
	s1 =	sshrl.u32 s1, $0x2  }
0x37: {  	s3 =	sand.u32 $0x4000, s31;
	s1 =	sadd.s32 s1, s30  }
0x38: {  	s0 =	sor.u32 s3, s0;
	s1 =	sshll.u32 s1, $0x11  }
0x39: {  	s0 =	sor.u32 s1, s0  }
0x3a: {  	s0 =	sadd.s32 $0x8F2B, s0  }
0x3b: {  	[sflag:s0] =	ssyncadd.remote.s32 $0x1  }
0x3c: {  	_ =	sfence.sel $0xFFFF  }
0x3d: {  	[dreg:$0x0] =	wrdreg $0xFFFFFFFF;
	(pc) =	sbr.abs _section_cstart, $3  }
0x3e: {  	[dreg:$0x1] =	wrdreg $0xFFFFFFFF  }
0x3f: {  	_ =	task.clear_ibuf [dreg:s7], $0x2FFFF;
	_ =	strace $0x9FFFFFFF  }
0x40: {  	(tm) =	ssettm $0x7FFFFFFF  }
0x41: {  	_ =	shalt  }
tec
execute0_lowered:
.L_overlay_start_1:
0x0: {  	(tag) =	ssettag $0x1  }
0x1: {  	s0 =	srdreg.scid  }
0x2: {  	s1 =	sshll.u32 s0, $0x4  }
0x3: {  	s0 =	stileid.u32;
	s1 =	sand.u32 $0x10, s1  }
0x4: {  	s1 =	sor.u32 s0, s1  }
0x5: {  	s6 =	rddreg [dreg:$0x0];
	s4 =	simm.s32 $0x1;
	s2 =	sshll.u32 s1, $0x7  }
0x6: {  	s7 =	simm.s32 $0x2;
	s12 =	simm.s32 $0x0;
	s1 =	ssub.s32 $0x1000, s2  }
0x7: {  	s8 =	simm.s32 $0x8000;
	s13 =	simm.s32 $0x0;
	s3 =	sand.u32 $0xF80, s1  }
0x8: {  	s9 =	simm.s32 $0x0;
	s5 =	sshrl.u32 s1, $0xC;
	p0 =	sne.s32 s3, $0x0  }
.Ltmp0:
0x9: {  	s1 =	rddreg [dreg:$0x2];
	s4 =	simm.s32 @!p0 $0x0;
	(pc) =	sbr.rel .LBB1_1-.Ltmp0, $4  }
0xa: {  	s11 =	simm.s32 $0x0;
	s3 =	rddreg [dreg:$0x1];
	s5 =	sadd.s32 s4, s5  }
0xb: {  	_ =	strace $0x8000004A;
	s4 =	simm.s32 $0x1;
	s5 =	smul.u32 $0xC8, s5  }
0xc: {  	s6 =	sadd.s32 $0x20E00, s6;
	s10 =	smov.u32 s2;
	[sflag:s4] =	ssyncpa.u1 $0x0  }
0xd: {  	p0 =	por $0x0, $0x0;
	[sflag:s7] =	ssyncpa.u1 $0x0;
	s7 =	sor.u32 $0x1, s5  }
.LBB1_4:
0xe: {  	s16 =	sshll.u32 s13, $0x3;
	s17 =	sand.u32 $0x78, s13  }
0xf: {  	s30 =	sand.u32 $0x3E00, s13;
	s12 =	sshll.u32 s12, $0xE;
	s16 =	sand.u32 $0xC00, s16  }
0x10: {  	s31 =	sand.u32 $0x7, s13;
	s16 =	sor.u32 s17, s16;
	s17 =	sadd.s32 s3, s30  }
0x11: {  	s13 =	sshll.u32 s31, $0x12;
	s16 =	sshrl.u32 s16, $0x3;
	s12 =	sadd.s32 s12, s17  }
0x12: {  	[tilespmem:s15+$0x0 ss:$0x81] =	vst.msk $0xffff, v0;
	s13 =	sor.u32 $0x400, s13;
	s12 =	sadd.s32 s16, s12  }
0x13: {  	[hbm4b:s12+s13] =	stream.strided.scatter [tilespmem:s14], [sflag:$0x2], $0x1000, s8, s13, $0x20;
	[tilespmem:$0x4040] =	vst v63  }
.LBB1_5:
0x14: {  	s14 =	sadd.s32 $0x1, s9  }
0x15: {  	s12 =	sadd.s32 $0x1000, s10;
	s16 =	smov.u32 s10;
	p2 =	sgt.s32 s14, $0xC7  }
0x16: {  	s16 =	smov.u32 @p2 s12  }
0x17: {  	s14 =	simm.s32 @p2 $0x0;
	p2 =	sgt.s32 s16, $0xFFF  }
0x18: {  	s16 =	smov.u32 @p2 s2;
	p2 =	sne.s32 s11, s7  }
.Ltmp1:
0x19: {  	p1 =	slt.u32 s11, $0x2;
	(pc) =	sbr.rel @!p2 .LBB1_6-.Ltmp1, $4  }
0x1a: {  	s15 =	simm.s32 @!p1 $0x2  }
0x1b: {  	s13 =	smov.u32 s10;
	p0 =	por !p0, !p0;
	_ =	swait.ge @!p1 [sflag:s15], $0x1000  }
0x1c: {  	s12 =	smov.u32 s9;
	[sflag:s15] =	ssyncset.done @!p1 $0x0;
	s9 =	smov.u32 s14  }
0x1d: {  	s11 =	sadd.s32 $0x1, s11;
	[sflag:s15] =	ssyncadd.s32 @!p1 $0xFFFFF000;
	s10 =	smov.u32 s16  }
.LBB1_1:
0x1e: {  	p1 =	sge.u32 s11, s5  }
0x1f: {  	s14 =	sand.u32 @!p1 $0x1FFFFFF, s9  }
0x20: {  	s15 =	smulhi.u32 @!p1 $0x147AE15, s14;
	_ =	sdelay $0x1  }
0x21: {  	s15 =	smul.u32 @!p1 $0xC8, s15  }
0x22: {  	s16 =	sxor.u32 @!p1 $0xFFFFFFFF, s11;
	s17 =	smul.u32 @!p1 $0xC80, s10  }
0x23: {  	s31 =	sadd.s32 $0xFFFFFFFF, s11;
	s16 =	sshll.u32 @!p1 s16, $0xC;
	s14 =	ssub.s32 @!p1 s14, s15  }
0x24: {  	s15 =	sand.u32 @!p1 $0x1000, s16;
	s16 =	sadd.s32 @!p1 s6, s17;
	s14 =	sshll.u32 @!p1 s14, $0x4  }
0x25: {  	s17 =	simm.s32 @!p1 $0x6400;
	s14 =	sadd.s32 @!p1 s14, s16;
	s16 =	simm.s32 @!p1 $0x20  }
0x26: {  	[tilespmem:s15], [sflag:$0x1] =	stream.strided.gather @!p1 [hbm4b:s14+s16], $0x1000, s17, s16, $0x38;
	[tilespmem:$0x4040] =	vst v63  }
0x27: {  	p1 =	sge.u32 s31, s5  }
.Ltmp2:
0x28: {  	_ = 	snop;
	(pc) =	sbr.rel @p1 .LBB1_5-.Ltmp2, $1  }
0x29: {  	_ =	sdelay $0x3  }
0x2a: {  	s14 =	simm.s32 $0x1  }
0x2b: {  	_ =	swait.ge [sflag:s4], $0x1000;
	s14 =	simm.s32 @!p0 $0x0  }
0x2c: {  	[sflag:s4] =	ssyncset.done $0x0;
	s15 =	sshll.u32 s14, $0xC  }
0x2d: {  	[sflag:s4] =	ssyncadd.s32 $0xFFFFF000;
	s18 =	sor.u32 $0x10, s15  }
0x2e: {  	s14 =	smul.u32 $0x4080, s14;
	v1 =	vld [tilespmem:s18+$0x0]  }
0x2f: {  	s30 =	sand.u32 $0x1, s11;
	v0 =	vld [tilespmem:s18+$0xFFFFFFF0]  }
0x30: {  	s15 =	smul.u32 $0x4080, s30;
	s14 =	sshrl.u32 s14, $0x2  }
0x31: {  	s16 =	sor.u32 $0x2000, s14  }
0x32: {  	s31 =	sshrl.u32 s15, $0x2;
	s15 =	sadd.s32 $0x0, s16  }
0x33: {  	s17 =	simm.s32 $0x4;
	s18 =	sadd.s32 $0x20, s18;
	s14 =	sor.u32 $0x2000, s31;
	[tilespmem:s15+$0x810 ss:$0x81] =	vst.msk $0xffff, v1  }
.LBB1_3:
0x34: {  	v1 =	vld [tilespmem:s18+$0x0];
	p1 =	sne.s32 s17, $0x1FC;
	[tilespmem:s15+$0x0 ss:$0x81] =	vst.msk $0xffff, v0;
	s15 =	smov.u32 s17;
	s17 =	sadd.s32 $0x4, s17  }
.Ltmp3:
0x35: {  	v0 =	vld [tilespmem:s18+$0xFFFFFFF0];
	(pc) =	sbr.rel @p1 .LBB1_3-.Ltmp3, $4  }
0x36: {  	_ = 	snop  }
0x37: {  	s15 =	sshra.s32 s15, $0x2  }
0x38: {  	s15 =	sadd.s32 s15, s16  }
0x39: {  	s18 =	sadd.s32 $0x20, s18;
	[tilespmem:s15+$0x810 ss:$0x81] =	vst.msk $0xffff, v1  }
.Ltmp4:
0x3a: {  	_ = 	snop;
	(pc) =	sbr.rel .LBB1_4-.Ltmp4, $1  }
0x3b: {  	_ =	sdelay $0x3  }
.LBB1_6:
0x3c: {  	_ =	sfence.sel $0x180000  }
0x3d: {  	s2 =	simm.s32 $0x1;
	[bflag:$0x0] =	sbarrier.arrive $0xFFFF  }
0x3e: {  	s31 =	simm.s32 $0x2;
	[sflag:s2] =	ssyncpa.u1 $0x1  }
0x3f: {  	[sflag:s31] =	ssyncpa.u1 $0x1  }
0x40: {  	p0 =	sne.s32 s0, $0x0;
	_ =	strace $0x9000004A  }
0x41: {  	s0 =	sadd.s32 @!p0 $0x100000, s1;
	[bflag:$0x2] =	sbarrier.arrive $0xFFFF  }
0x42: {  	[sflag:s0] =	ssyncadd.tile.s32 @!p0 $0x1;
	_ =	shalt  }
.Lfunc_end1:
_tile_overlayer_lowered:
.L_overlay_start_2:
0x43: {  	(tag) =	ssettag $0x2  }
0x44: {  	s0 =	rddreg [dreg:$0x0];
	s2 =	stileid.u32  }
0x45: {  	s1 =	rddreg [dreg:$0x1];
	p0 =	sne.s32 s2, $0x0  }
0x46: {  	s3 =	rddreg [dreg:$0x2];
	[bflag:$0x3] =	sbarrier.arrive $0xFFFF;
	s2 =	simm.s32 @!p0 $0x1C01  }
0x47: {  	[timem:s3], [sflag:s2] =	dma.local @!p0 [hbm:s0], s1  }
0x48: {  	s0 =	simm.s32 @!p0 $0x1  }
0x49: {  	_ =	swait.ge @!p0 [sflag:s0], s1  }
0x4a: {  	s1 =	ssub.s32 @!p0 $0x0, s1;
	[sflag:s0] =	ssyncset.done @!p0 $0x0  }
0x4b: {  	[sflag:s0] =	ssyncadd.s32 @!p0 s1  }
0x4c: {  	[bflag:$0x3] =	sbarrier.arrive $0xFFFF  }
0x4d: {  	_ =	shalt  }

</sc_bundles>
